<compile_context>
chip_gen: v7x
topology: tpu7x:2x2x1
jax: 0.10.2.dev20260603
libtpu: 0.0.44.dev20260713+nightly
codegen_flags: <defaults>
</compile_context>

<pallas_src>
import functools

import jax
import jax.numpy as jnp
from jax import lax
from jax.experimental import pallas as pl
from jax.experimental.pallas import tpu as pltpu
from jax.experimental.pallas import tpu_sc as plsc

N_NODES = 10000
D = 128
DW = D // 2
N_EDGES = 320000
NW = 32
E_W = N_EDGES // NW
C = 200
NCHUNK = E_W // C
NBLK = C // 16 + 1


def _sc_kernel(z_hbm, row_hbm, col_hbm, out_hbm,
               idxv, zs, ab0, ab1, o0, o1, semi, sg0, sg1, sh0, sh1,
               so0, so1):
    wid = lax.axis_index("s") * 2 + lax.axis_index("c")
    sid = lax.axis_index("s")
    base = wid * E_W
    lanes = lax.iota(jnp.int32, 16)
    last_lane = lanes == 15
    abs_ = (ab0, ab1)
    os_ = (o0, o1)
    sgs = (sg0, sg1)
    sgh = (sh0, sh1)
    sos = (so0, so1)

    def gathers(ci, b):
        pltpu.async_copy(
            zs.at[idxv.at[pl.ds(ci * C, C)]],
            abs_[b].at[pl.ds(0, C)], sgh[b])
        pltpu.async_copy(
            zs.at[idxv.at[pl.ds(E_W + ci * C, C)]],
            abs_[b].at[pl.ds(C, C)], sgs[b])

    def wait_gather(b):
        pltpu.make_async_copy(
            zs.at[idxv.at[pl.ds(0, C)]],
            abs_[b].at[pl.ds(0, C)], sgh[b]).wait()
        pltpu.make_async_copy(
            zs.at[idxv.at[pl.ds(0, C)]],
            abs_[b].at[pl.ds(C, C)], sgs[b]).wait()

    def wait_out(b):
        pltpu.make_async_copy(
            os_[b].at[pl.ds(0, C)], out_hbm.at[pl.ds(base, C)], sos[b]).wait()

    def compute(b):
        ab = abs_[b]
        o = os_[b]

        @plsc.parallel_loop(0, C, unroll=2)
        def edge(i):
            parts = [None] * 4
            for g in range(4):
                wa = ab[i, pl.ds(g * 16, 16)]
                wb = ab[i + C, pl.ds(g * 16, 16)]
                p = plsc.bitcast(wa, jnp.bfloat16) * plsc.bitcast(wb, jnp.bfloat16)
                p0, p1 = plsc.unpack(p, format=plsc.PackFormat.INTERLEAVED)
                parts[g] = p0 + p1
            acc = (parts[0] + parts[1]) + (parts[2] + parts[3])
            csum = plsc.cumsum(acc)
            plsc.store_scatter(o, [jnp.full((16,), 0, jnp.int32) + i], csum,
                               mask=last_lane)

        @plsc.parallel_loop(0, NBLK)
        def sig(k):
            v = o[pl.ds(k * 16, 16)]
            o[pl.ds(k * 16, 16)] = 1.0 / (1.0 + jnp.exp(-v))

    pltpu.async_copy(row_hbm.at[pl.ds(base, E_W)], idxv.at[pl.ds(0, E_W)],
                     semi)
    pltpu.async_copy(col_hbm.at[pl.ds(base, E_W)], idxv.at[pl.ds(E_W, E_W)],
                     semi)
    NR = N_NODES // 16
    pltpu.sync_copy(z_hbm.at[pl.ds(sid * NR, NR)], zs.at[pl.ds(sid * NR, NR)])
    pltpu.make_async_copy(row_hbm.at[pl.ds(0, 2 * E_W)], idxv, semi).wait()
    plsc.subcore_barrier()
    gathers(0, 0)

    def super_(si, _):
        for b in (0, 1):
            ci = si * 2 + b
            nb = 1 - b

            wait_gather(b)

            @pl.when(ci + 1 < NCHUNK)
            def _():
                gathers(ci + 1, nb)

            @pl.when(ci >= 2)
            def _():
                wait_out(b)

            compute(b)
            pltpu.async_copy(
                os_[b].at[pl.ds(0, C)],
                out_hbm.at[pl.ds(base + ci * C, C)], sos[b])
        return 0

    lax.fori_loop(0, NCHUNK // 2, super_, 0)
    wait_out(0)
    wait_out(1)


@jax.jit
def kernel(z, edge_index):
    row = edge_index[0].astype(jnp.int32)
    col = edge_index[1].astype(jnp.int32)
    zb = z.astype(jnp.bfloat16).reshape(N_NODES, DW, 2)
    zi = lax.bitcast_convert_type(zb, jnp.int32)
    mesh = plsc.VectorSubcoreMesh(core_axis_name="c", subcore_axis_name="s")
    f = functools.partial(
        pl.kernel,
        mesh=mesh,
        compiler_params=pltpu.CompilerParams(
            needs_layout_passes=False, use_tc_tiling_on_sc=False),
        out_type=jax.ShapeDtypeStruct((N_EDGES,), jnp.float32),
        scratch_types=[
            pltpu.VMEM((2 * E_W,), jnp.int32),
            pltpu.VMEM_SHARED((N_NODES, DW), jnp.int32),
            pltpu.VMEM((2 * C, DW), jnp.int32),
            pltpu.VMEM((2 * C, DW), jnp.int32),
            pltpu.VMEM((16 * NBLK,), jnp.float32),
            pltpu.VMEM((16 * NBLK,), jnp.float32),
            pltpu.SemaphoreType.DMA,
            pltpu.SemaphoreType.DMA,
            pltpu.SemaphoreType.DMA,
            pltpu.SemaphoreType.DMA,
            pltpu.SemaphoreType.DMA,
            pltpu.SemaphoreType.DMA,
            pltpu.SemaphoreType.DMA,
        ],
    )(_sc_kernel)
    return f(zi, row, col)

# --- scband reference (transcript-rebuilt; emitter-appended) ---
"""Pipeline reference for scband-inner-product-14620068675921 (READ-ONLY COPY).

The authoritative reference and input builder live on the scoring server;
editing this copy changes nothing except your own understanding.
"""

import jax, jax.numpy as jnp
import numpy as np

def setup_inputs(seed: int = 0) -> dict:
    key = jax.random.key(seed)
    k1, k2 = jax.random.split(key)
    z = jax.random.normal(k1, (10000, 128), dtype=jnp.float32)
    edge_index = jax.random.randint(k2, (2, 320000), 0, 10000, dtype=jnp.int64)
    return {"z": z, "edge_index": edge_index}

def reference(z, edge_index):
    row = edge_index[0]
    col = edge_index[1]
    z_row = jnp.take(z, row, axis=0)
    z_col = jnp.take(z, col, axis=0)
    return jax.nn.sigmoid(jnp.sum(z_row * z_col, axis=-1))

if __name__ == "__main__":
    import jax
    _d = setup_inputs()
    print(jax.jit(kernel)(*tuple(_d.values())))

</pallas_src>

<mosaic_0001>
#map = affine_map<(d0, d1) -> (0, 0)>
#map1 = affine_map<(d0, d1) -> (0)>
module attributes {stable_mosaic.version = 14 : i64} {
  func.func @_sc_kernel(%arg0: i32, %arg1: i32, %arg2: memref<10000x64xi32, #tpu.memory_space<hbm>>, %arg3: memref<320000xi32, #tpu.memory_space<hbm>>, %arg4: memref<320000xi32, #tpu.memory_space<hbm>>, %arg5: memref<320000xf32, #tpu.memory_space<hbm>>, %arg6: memref<20000xi32, #tpu.memory_space<vmem>>, %arg7: memref<10000x64xi32, #tpu.memory_space<vmem_shared>>, %arg8: memref<400x64xi32, #tpu.memory_space<vmem>>, %arg9: memref<400x64xi32, #tpu.memory_space<vmem>>, %arg10: memref<208xf32, #tpu.memory_space<vmem>>, %arg11: memref<208xf32, #tpu.memory_space<vmem>>, %arg12: memref<!tpu.dma_semaphore, #tpu.memory_space<semaphore_mem>>, %arg13: memref<!tpu.dma_semaphore, #tpu.memory_space<semaphore_mem>>, %arg14: memref<!tpu.dma_semaphore, #tpu.memory_space<semaphore_mem>>, %arg15: memref<!tpu.dma_semaphore, #tpu.memory_space<semaphore_mem>>, %arg16: memref<!tpu.dma_semaphore, #tpu.memory_space<semaphore_mem>>, %arg17: memref<!tpu.dma_semaphore, #tpu.memory_space<semaphore_mem>>, %arg18: memref<!tpu.dma_semaphore, #tpu.memory_space<semaphore_mem>>) attributes {dimension_semantics = [#tpu.dimension_semantics<core_parallel>, #tpu.dimension_semantics<subcore_parallel>], iteration_bounds = array<i64: 2, 16>, scalar_prefetch = 0 : i64, scratch_operands = 13 : i64, tpu.core_type = #tpu.core_type<sc_vector_subcore>, window_params = [{transform_indices = #map}, {transform_indices = #map1}, {transform_indices = #map1}, {transform_indices = #map1}]} {
    %mul3A = arith.constant 2 : i32
    %mul3A_0 = arith.muli %arg1, %mul3A : i32
    %add3A = arith.addi %mul3A_0, %arg0 : i32
    %mul3A_1 = arith.constant 10000 : i32
    %mul3A_2 = arith.muli %add3A, %mul3A_1 : i32
    %iota3A = tpu.iota {dimensions = array<i32: 0>} : vector<16xi32>
    %eq3A = arith.constant 15 : i32
    %eq3A_3 = vector.broadcast %eq3A : i32 to vector<16xi32>
    %eq3A_4 = arith.cmpi eq, %iota3A, %eq3A_3 : vector<16xi32>
    %dma_start3A = arith.constant 0 : i32
    %dma_start3A_5 = tpu.memref_slice %arg6[%dma_start3A] : memref<20000xi32, #tpu.memory_space<vmem>> -> memref<10000xi32, #tpu.memory_space<vmem>>
    %dma_start3A_6 = tpu.memref_slice %arg3[%mul3A_2] : memref<320000xi32, #tpu.memory_space<hbm>> -> memref<10000xi32, #tpu.memory_space<hbm>>
    %dma_start3A_7 = arith.constant 0 : i32
    %dma_start3A_8 = tpu.memref_slice %arg6[%dma_start3A_7] : memref<20000xi32, #tpu.memory_space<vmem>> -> memref<10000xi32, #tpu.memory_space<vmem>>
    %dma_start3A_9 = tpu.memref_slice %arg3[%mul3A_2] : memref<320000xi32, #tpu.memory_space<hbm>> -> memref<10000xi32, #tpu.memory_space<hbm>>
    tpu.enqueue_dma source(%dma_start3A_9 : memref<10000xi32, #tpu.memory_space<hbm>>) target(%dma_start3A_8 : memref<10000xi32, #tpu.memory_space<vmem>>) target_semaphore(%arg12 : memref<!tpu.dma_semaphore, #tpu.memory_space<semaphore_mem>>)
    %dma_start3A_10 = arith.constant 10000 : i32
    %dma_start3A_11 = tpu.memref_slice %arg6[%dma_start3A_10] : memref<20000xi32, #tpu.memory_space<vmem>> -> memref<10000xi32, #tpu.memory_space<vmem>>
    %dma_start3A_12 = tpu.memref_slice %arg4[%mul3A_2] : memref<320000xi32, #tpu.memory_space<hbm>> -> memref<10000xi32, #tpu.memory_space<hbm>>
    %dma_start3A_13 = arith.constant 10000 : i32
    %dma_start3A_14 = tpu.memref_slice %arg6[%dma_start3A_13] : memref<20000xi32, #tpu.memory_space<vmem>> -> memref<10000xi32, #tpu.memory_space<vmem>>
    %dma_start3A_15 = tpu.memref_slice %arg4[%mul3A_2] : memref<320000xi32, #tpu.memory_space<hbm>> -> memref<10000xi32, #tpu.memory_space<hbm>>
    tpu.enqueue_dma source(%dma_start3A_15 : memref<10000xi32, #tpu.memory_space<hbm>>) target(%dma_start3A_14 : memref<10000xi32, #tpu.memory_space<vmem>>) target_semaphore(%arg12 : memref<!tpu.dma_semaphore, #tpu.memory_space<semaphore_mem>>)
    %mul3A_16 = arith.constant 625 : i32
    %mul3A_17 = arith.muli %arg1, %mul3A_16 : i32
    %mul3A_18 = arith.constant 625 : i32
    %mul3A_19 = arith.muli %arg1, %mul3A_18 : i32
    "tpu.region"() ({
      %run_scoped3A = tpu.sem_alloc : memref<!tpu.dma_semaphore, #tpu.memory_space<semaphore_mem>>
      %dma_start3A_57 = arith.constant 0 : i32
      %dma_start3A_58 = tpu.memref_slice %arg7[%mul3A_19, %dma_start3A_57] : memref<10000x64xi32, #tpu.memory_space<vmem_shared>> -> memref<625x64xi32, #tpu.memory_space<vmem_shared>>
      %dma_start3A_59 = arith.constant 0 : i32
      %dma_start3A_60 = tpu.memref_slice %arg2[%mul3A_17, %dma_start3A_59] : memref<10000x64xi32, #tpu.memory_space<hbm>> -> memref<625x64xi32, #tpu.memory_space<hbm>>
      tpu.enqueue_dma source(%dma_start3A_60 : memref<625x64xi32, #tpu.memory_space<hbm>>) target(%dma_start3A_58 : memref<625x64xi32, #tpu.memory_space<vmem_shared>>) target_semaphore(%run_scoped3A : memref<!tpu.dma_semaphore, #tpu.memory_space<semaphore_mem>>)
      %dma_wait3A_61 = arith.constant 0 : i32
      %dma_wait3A_62 = tpu.memref_slice %arg7[%mul3A_19, %dma_wait3A_61] : memref<10000x64xi32, #tpu.memory_space<vmem_shared>> -> memref<625x64xi32, #tpu.memory_space<vmem_shared>>
      %dma_wait3A_63 = arith.constant 0 : i32
      %dma_wait3A_64 = tpu.memref_slice %arg2[%mul3A_17, %dma_wait3A_63] : memref<10000x64xi32, #tpu.memory_space<hbm>> -> memref<625x64xi32, #tpu.memory_space<hbm>>
      tpu.wait_dma2 semaphore(%run_scoped3A : memref<!tpu.dma_semaphore, #tpu.memory_space<semaphore_mem>>) src(%dma_wait3A_64 : memref<625x64xi32, #tpu.memory_space<hbm>>) dst(%dma_wait3A_62 : memref<625x64xi32, #tpu.memory_space<vmem_shared>>)
      tpu.yield
    }) : () -> ()
    %dma_wait3A = arith.constant 0 : i32
    %dma_wait3A_20 = tpu.memref_slice %arg3[%dma_wait3A] : memref<320000xi32, #tpu.memory_space<hbm>> -> memref<20000xi32, #tpu.memory_space<hbm>>
    %dma_wait3A_21 = arith.constant 0 : i32
    %dma_wait3A_22 = tpu.memref_slice %arg3[%dma_wait3A_21] : memref<320000xi32, #tpu.memory_space<hbm>> -> memref<20000xi32, #tpu.memory_space<hbm>>
    tpu.wait_dma2 semaphore(%arg12 : memref<!tpu.dma_semaphore, #tpu.memory_space<semaphore_mem>>) src(%dma_wait3A_22 : memref<20000xi32, #tpu.memory_space<hbm>>) dst(%arg6 : memref<20000xi32, #tpu.memory_space<vmem>>)
    %barrier3A = arith.constant 0 : index
    tpu.barrier barrier_id(%barrier3A)
    %dma_start3A_23 = arith.constant 0 : i32
    %dma_start3A_24 = arith.constant 0 : i32
    %dma_start3A_25 = tpu.memref_slice %arg8[%dma_start3A_23, %dma_start3A_24] : memref<400x64xi32, #tpu.memory_space<vmem>> -> memref<200x64xi32, #tpu.memory_space<vmem>>
    %dma_start3A_26 = arith.constant 0 : i32
    %dma_start3A_27 = tpu.memref_slice %arg6[%dma_start3A_26] : memref<20000xi32, #tpu.memory_space<vmem>> -> memref<200xi32, #tpu.memory_space<vmem>>
    %dma_start3A_28 = arith.constant 0 : i32
    %dma_start3A_29 = arith.constant 0 : i32
    %dma_start3A_30 = tpu.memref_slice %arg7[%dma_start3A_28, %dma_start3A_29] : memref<10000x64xi32, #tpu.memory_space<vmem_shared>> -> memref<10000x64xi32, #tpu.memory_space<vmem_shared>>
    tpu.enqueue_indirect_dma source(%dma_start3A_30 : memref<10000x64xi32, #tpu.memory_space<vmem_shared>>) target(%dma_start3A_25 : memref<200x64xi32, #tpu.memory_space<vmem>>) offsets(%dma_start3A_27 : memref<200xi32, #tpu.memory_space<vmem>>) semaphore(%arg15 : memref<!tpu.dma_semaphore, #tpu.memory_space<semaphore_mem>>)
    %dma_start3A_31 = arith.constant 200 : i32
    %dma_start3A_32 = arith.constant 0 : i32
    %dma_start3A_33 = tpu.memref_slice %arg8[%dma_start3A_31, %dma_start3A_32] : memref<400x64xi32, #tpu.memory_space<vmem>> -> memref<200x64xi32, #tpu.memory_space<vmem>>
    %dma_start3A_34 = arith.constant 10000 : i32
    %dma_start3A_35 = tpu.memref_slice %arg6[%dma_start3A_34] : memref<20000xi32, #tpu.memory_space<vmem>> -> memref<200xi32, #tpu.memory_space<vmem>>
    %dma_start3A_36 = arith.constant 0 : i32
    %dma_start3A_37 = arith.constant 0 : i32
    %dma_start3A_38 = tpu.memref_slice %arg7[%dma_start3A_36, %dma_start3A_37] : memref<10000x64xi32, #tpu.memory_space<vmem_shared>> -> memref<10000x64xi32, #tpu.memory_space<vmem_shared>>
    tpu.enqueue_indirect_dma source(%dma_start3A_38 : memref<10000x64xi32, #tpu.memory_space<vmem_shared>>) target(%dma_start3A_33 : memref<200x64xi32, #tpu.memory_space<vmem>>) offsets(%dma_start3A_35 : memref<200xi32, #tpu.memory_space<vmem>>) semaphore(%arg13 : memref<!tpu.dma_semaphore, #tpu.memory_space<semaphore_mem>>)
    %scan3A = arith.constant 0 : i32
    %scan3A_39 = arith.constant 0 : i32
    %scan3A_40 = arith.constant 25 : i32
    %scan3A_41 = arith.addi %scan3A_39, %scan3A_40 : i32
    %scan3A_42 = arith.constant 1 : i32
    %scan3A_43 = scf.for %scan3A_57 = %scan3A_39 to %scan3A_41 step %scan3A_42 iter_args(%scan3A_58 = %scan3A) -> (i32)  : i32 {
      %mul3A_59 = arith.constant 2 : i32
      %mul3A_60 = arith.muli %scan3A_57, %mul3A_59 : i32
      %add3A_61 = arith.constant 0 : i32
      %add3A_62 = arith.addi %mul3A_60, %add3A_61 : i32
      %dma_wait3A_63 = arith.constant 0 : i32
      %dma_wait3A_64 = arith.constant 0 : i32
      %dma_wait3A_65 = tpu.memref_slice %arg8[%dma_wait3A_63, %dma_wait3A_64] : memref<400x64xi32, #tpu.memory_space<vmem>> -> memref<200x64xi32, #tpu.memory_space<vmem>>
      %dma_wait3A_66 = arith.constant 0 : i32
      %dma_wait3A_67 = tpu.memref_slice %arg6[%dma_wait3A_66] : memref<20000xi32, #tpu.memory_space<vmem>> -> memref<200xi32, #tpu.memory_space<vmem>>
      %dma_wait3A_68 = arith.constant 0 : i32
      %dma_wait3A_69 = arith.constant 0 : i32
      %dma_wait3A_70 = tpu.memref_slice %arg7[%dma_wait3A_68, %dma_wait3A_69] : memref<10000x64xi32, #tpu.memory_space<vmem_shared>> -> memref<10000x64xi32, #tpu.memory_space<vmem_shared>>
      tpu.wait_indirect_dma semaphore(%arg15 : memref<!tpu.dma_semaphore, #tpu.memory_space<semaphore_mem>>) src(%dma_wait3A_70 : memref<10000x64xi32, #tpu.memory_space<vmem_shared>>) dst(%dma_wait3A_65 : memref<200x64xi32, #tpu.memory_space<vmem>>)
      %dma_wait3A_71 = arith.constant 200 : i32
      %dma_wait3A_72 = arith.constant 0 : i32
      %dma_wait3A_73 = tpu.memref_slice %arg8[%dma_wait3A_71, %dma_wait3A_72] : memref<400x64xi32, #tpu.memory_space<vmem>> -> memref<200x64xi32, #tpu.memory_space<vmem>>
      %dma_wait3A_74 = arith.constant 0 : i32
      %dma_wait3A_75 = tpu.memref_slice %arg6[%dma_wait3A_74] : memref<20000xi32, #tpu.memory_space<vmem>> -> memref<200xi32, #tpu.memory_space<vmem>>
      %dma_wait3A_76 = arith.constant 0 : i32
      %dma_wait3A_77 = arith.constant 0 : i32
      %dma_wait3A_78 = tpu.memref_slice %arg7[%dma_wait3A_76, %dma_wait3A_77] : memref<10000x64xi32, #tpu.memory_space<vmem_shared>> -> memref<10000x64xi32, #tpu.memory_space<vmem_shared>>
      tpu.wait_indirect_dma semaphore(%arg13 : memref<!tpu.dma_semaphore, #tpu.memory_space<semaphore_mem>>) src(%dma_wait3A_78 : memref<10000x64xi32, #tpu.memory_space<vmem_shared>>) dst(%dma_wait3A_73 : memref<200x64xi32, #tpu.memory_space<vmem>>)
      %add3A_79 = arith.constant 1 : i32
      %add3A_80 = arith.addi %add3A_62, %add3A_79 : i32
      %lt3A = arith.constant 50 : i32
      %lt3A_81 = arith.cmpi slt, %add3A_80, %lt3A : i32
      %convert_element_type3A = arith.extui %lt3A_81 : i1 to i32
      %cond3A = arith.constant 0 : i32
      %cond3A_82 = arith.cmpi ne, %convert_element_type3A, %cond3A : i32
      scf.if %cond3A_82 {
        %add3A_149 = arith.constant 1 : i32
        %add3A_150 = arith.addi %add3A_62, %add3A_149 : i32
        %mul3A_151 = arith.constant 200 : i32
        %mul3A_152 = arith.muli %add3A_150, %mul3A_151 : i32
        %dma_start3A_153 = arith.constant 0 : i32
        %dma_start3A_154 = arith.constant 0 : i32
        %dma_start3A_155 = tpu.memref_slice %arg9[%dma_start3A_153, %dma_start3A_154] : memref<400x64xi32, #tpu.memory_space<vmem>> -> memref<200x64xi32, #tpu.memory_space<vmem>>
        %dma_start3A_156 = tpu.memref_slice %arg6[%mul3A_152] : memref<20000xi32, #tpu.memory_space<vmem>> -> memref<200xi32, #tpu.memory_space<vmem>>
        %dma_start3A_157 = arith.constant 0 : i32
        %dma_start3A_158 = arith.constant 0 : i32
        %dma_start3A_159 = tpu.memref_slice %arg7[%dma_start3A_157, %dma_start3A_158] : memref<10000x64xi32, #tpu.memory_space<vmem_shared>> -> memref<10000x64xi32, #tpu.memory_space<vmem_shared>>
        tpu.enqueue_indirect_dma source(%dma_start3A_159 : memref<10000x64xi32, #tpu.memory_space<vmem_shared>>) target(%dma_start3A_155 : memref<200x64xi32, #tpu.memory_space<vmem>>) offsets(%dma_start3A_156 : memref<200xi32, #tpu.memory_space<vmem>>) semaphore(%arg16 : memref<!tpu.dma_semaphore, #tpu.memory_space<semaphore_mem>>)
        %mul3A_160 = arith.constant 200 : i32
        %mul3A_161 = arith.muli %add3A_150, %mul3A_160 : i32
        %add3A_162 = arith.constant 10000 : i32
        %add3A_163 = arith.addi %add3A_162, %mul3A_161 : i32
        %dma_start3A_164 = arith.constant 200 : i32
        %dma_start3A_165 = arith.constant 0 : i32
        %dma_start3A_166 = tpu.memref_slice %arg9[%dma_start3A_164, %dma_start3A_165] : memref<400x64xi32, #tpu.memory_space<vmem>> -> memref<200x64xi32, #tpu.memory_space<vmem>>
        %dma_start3A_167 = tpu.memref_slice %arg6[%add3A_163] : memref<20000xi32, #tpu.memory_space<vmem>> -> memref<200xi32, #tpu.memory_space<vmem>>
        %dma_start3A_168 = arith.constant 0 : i32
        %dma_start3A_169 = arith.constant 0 : i32
        %dma_start3A_170 = tpu.memref_slice %arg7[%dma_start3A_168, %dma_start3A_169] : memref<10000x64xi32, #tpu.memory_space<vmem_shared>> -> memref<10000x64xi32, #tpu.memory_space<vmem_shared>>
        tpu.enqueue_indirect_dma source(%dma_start3A_170 : memref<10000x64xi32, #tpu.memory_space<vmem_shared>>) target(%dma_start3A_166 : memref<200x64xi32, #tpu.memory_space<vmem>>) offsets(%dma_start3A_167 : memref<200xi32, #tpu.memory_space<vmem>>) semaphore(%arg14 : memref<!tpu.dma_semaphore, #tpu.memory_space<semaphore_mem>>)
      } else {
      }
      %ge3A = arith.constant 2 : i32
      %ge3A_83 = arith.cmpi sge, %add3A_62, %ge3A : i32
      %convert_element_type3A_84 = arith.extui %ge3A_83 : i1 to i32
      %cond3A_85 = arith.constant 0 : i32
      %cond3A_86 = arith.cmpi ne, %convert_element_type3A_84, %cond3A_85 : i32
      scf.if %cond3A_86 {
        %dma_wait3A_149 = arith.constant 0 : i32
        %dma_wait3A_150 = tpu.memref_slice %arg10[%dma_wait3A_149] : memref<208xf32, #tpu.memory_space<vmem>> -> memref<200xf32, #tpu.memory_space<vmem>>
        %dma_wait3A_151 = tpu.memref_slice %arg5[%mul3A_2] : memref<320000xf32, #tpu.memory_space<hbm>> -> memref<200xf32, #tpu.memory_space<hbm>>
        %dma_wait3A_152 = tpu.memref_slice %arg5[%mul3A_2] : memref<320000xf32, #tpu.memory_space<hbm>> -> memref<200xf32, #tpu.memory_space<hbm>>
        %dma_wait3A_153 = arith.constant 0 : i32
        %dma_wait3A_154 = tpu.memref_slice %arg10[%dma_wait3A_153] : memref<208xf32, #tpu.memory_space<vmem>> -> memref<200xf32, #tpu.memory_space<vmem>>
        tpu.wait_dma2 semaphore(%arg17 : memref<!tpu.dma_semaphore, #tpu.memory_space<semaphore_mem>>) src(%dma_wait3A_154 : memref<200xf32, #tpu.memory_space<vmem>>) dst(%dma_wait3A_152 : memref<200xf32, #tpu.memory_space<hbm>>)
      } else {
      }
      %parallel_loop3A = arith.constant 0 : i32
      %parallel_loop3A_87 = arith.constant 200 : i32
      %parallel_loop3A_88 = arith.constant 1 : i32
      scf.for %parallel_loop3A_149 = %parallel_loop3A to %parallel_loop3A_87 step %parallel_loop3A_88  : i32 {
        %parallel_loop3A_150 = arith.index_cast %parallel_loop3A_149 : i32 to index
        %parallel_loop3A_151 = arith.constant 0 : index
        %parallel_loop3A_152 = tpu.vector_load %arg8[%parallel_loop3A_150, %parallel_loop3A_151] {strides = array<i32>} : memref<400x64xi32, #tpu.memory_space<vmem>>, vector<16xi32>,
        %parallel_loop3A_153 = arith.constant 200 : i32
        %parallel_loop3A_154 = arith.addi %parallel_loop3A_149, %parallel_loop3A_153 : i32
        %parallel_loop3A_155 = arith.index_cast %parallel_loop3A_154 : i32 to index
        %parallel_loop3A_156 = arith.constant 0 : index
        %parallel_loop3A_157 = tpu.vector_load %arg8[%parallel_loop3A_155, %parallel_loop3A_156] {strides = array<i32>} : memref<400x64xi32, #tpu.memory_space<vmem>>, vector<16xi32>,
        %parallel_loop3A_158 = vector.bitcast %parallel_loop3A_152 : vector<16xi32> to vector<32xbf16>
        %parallel_loop3A_159 = vector.bitcast %parallel_loop3A_157 : vector<16xi32> to vector<32xbf16>
        %parallel_loop3A_160 = arith.mulf %parallel_loop3A_158, %parallel_loop3A_159 : vector<32xbf16>
        %parallel_loop3A_161 = tpu.unpack_subelements %parallel_loop3A_160, 0 {pack_format = #tpu.pack_format<interleaved>} : vector<32xbf16> -> vector<16xf32>
        %parallel_loop3A_162 = tpu.unpack_subelements %parallel_loop3A_160, 1 {pack_format = #tpu.pack_format<interleaved>} : vector<32xbf16> -> vector<16xf32>
        %parallel_loop3A_163 = arith.addf %parallel_loop3A_161, %parallel_loop3A_162 : vector<16xf32>
        %parallel_loop3A_164 = arith.index_cast %parallel_loop3A_149 : i32 to index
        %parallel_loop3A_165 = arith.constant 16 : index
        %parallel_loop3A_166 = tpu.vector_load %arg8[%parallel_loop3A_164, %parallel_loop3A_165] {strides = array<i32>} : memref<400x64xi32, #tpu.memory_space<vmem>>, vector<16xi32>,
        %parallel_loop3A_167 = arith.constant 200 : i32
        %parallel_loop3A_168 = arith.addi %parallel_loop3A_149, %parallel_loop3A_167 : i32
        %parallel_loop3A_169 = arith.index_cast %parallel_loop3A_168 : i32 to index
        %parallel_loop3A_170 = arith.constant 16 : index
        %parallel_loop3A_171 = tpu.vector_load %arg8[%parallel_loop3A_169, %parallel_loop3A_170] {strides = array<i32>} : memref<400x64xi32, #tpu.memory_space<vmem>>, vector<16xi32>,
        %parallel_loop3A_172 = vector.bitcast %parallel_loop3A_166 : vector<16xi32> to vector<32xbf16>
        %parallel_loop3A_173 = vector.bitcast %parallel_loop3A_171 : vector<16xi32> to vector<32xbf16>
        %parallel_loop3A_174 = arith.mulf %parallel_loop3A_172, %parallel_loop3A_173 : vector<32xbf16>
        %parallel_loop3A_175 = tpu.unpack_subelements %parallel_loop3A_174, 0 {pack_format = #tpu.pack_format<interleaved>} : vector<32xbf16> -> vector<16xf32>
        %parallel_loop3A_176 = tpu.unpack_subelements %parallel_loop3A_174, 1 {pack_format = #tpu.pack_format<interleaved>} : vector<32xbf16> -> vector<16xf32>
        %parallel_loop3A_177 = arith.addf %parallel_loop3A_175, %parallel_loop3A_176 : vector<16xf32>
        %parallel_loop3A_178 = arith.index_cast %parallel_loop3A_149 : i32 to index
        %parallel_loop3A_179 = arith.constant 32 : index
        %parallel_loop3A_180 = tpu.vector_load %arg8[%parallel_loop3A_178, %parallel_loop3A_179] {strides = array<i32>} : memref<400x64xi32, #tpu.memory_space<vmem>>, vector<16xi32>,
        %parallel_loop3A_181 = arith.constant 200 : i32
        %parallel_loop3A_182 = arith.addi %parallel_loop3A_149, %parallel_loop3A_181 : i32
        %parallel_loop3A_183 = arith.index_cast %parallel_loop3A_182 : i32 to index
        %parallel_loop3A_184 = arith.constant 32 : index
        %parallel_loop3A_185 = tpu.vector_load %arg8[%parallel_loop3A_183, %parallel_loop3A_184] {strides = array<i32>} : memref<400x64xi32, #tpu.memory_space<vmem>>, vector<16xi32>,
        %parallel_loop3A_186 = vector.bitcast %parallel_loop3A_180 : vector<16xi32> to vector<32xbf16>
        %parallel_loop3A_187 = vector.bitcast %parallel_loop3A_185 : vector<16xi32> to vector<32xbf16>
        %parallel_loop3A_188 = arith.mulf %parallel_loop3A_186, %parallel_loop3A_187 : vector<32xbf16>
        %parallel_loop3A_189 = tpu.unpack_subelements %parallel_loop3A_188, 0 {pack_format = #tpu.pack_format<interleaved>} : vector<32xbf16> -> vector<16xf32>
        %parallel_loop3A_190 = tpu.unpack_subelements %parallel_loop3A_188, 1 {pack_format = #tpu.pack_format<interleaved>} : vector<32xbf16> -> vector<16xf32>
        %parallel_loop3A_191 = arith.addf %parallel_loop3A_189, %parallel_loop3A_190 : vector<16xf32>
        %parallel_loop3A_192 = arith.index_cast %parallel_loop3A_149 : i32 to index
        %parallel_loop3A_193 = arith.constant 48 : index
        %parallel_loop3A_194 = tpu.vector_load %arg8[%parallel_loop3A_192, %parallel_loop3A_193] {strides = array<i32>} : memref<400x64xi32, #tpu.memory_space<vmem>>, vector<16xi32>,
        %parallel_loop3A_195 = arith.constant 200 : i32
        %parallel_loop3A_196 = arith.addi %parallel_loop3A_149, %parallel_loop3A_195 : i32
        %parallel_loop3A_197 = arith.index_cast %parallel_loop3A_196 : i32 to index
        %parallel_loop3A_198 = arith.constant 48 : index
        %parallel_loop3A_199 = tpu.vector_load %arg8[%parallel_loop3A_197, %parallel_loop3A_198] {strides = array<i32>} : memref<400x64xi32, #tpu.memory_space<vmem>>, vector<16xi32>,
        %parallel_loop3A_200 = vector.bitcast %parallel_loop3A_194 : vector<16xi32> to vector<32xbf16>
        %parallel_loop3A_201 = vector.bitcast %parallel_loop3A_199 : vector<16xi32> to vector<32xbf16>
        %parallel_loop3A_202 = arith.mulf %parallel_loop3A_200, %parallel_loop3A_201 : vector<32xbf16>
        %parallel_loop3A_203 = tpu.unpack_subelements %parallel_loop3A_202, 0 {pack_format = #tpu.pack_format<interleaved>} : vector<32xbf16> -> vector<16xf32>
        %parallel_loop3A_204 = tpu.unpack_subelements %parallel_loop3A_202, 1 {pack_format = #tpu.pack_format<interleaved>} : vector<32xbf16> -> vector<16xf32>
        %parallel_loop3A_205 = arith.addf %parallel_loop3A_203, %parallel_loop3A_204 : vector<16xf32>
        %parallel_loop3A_206 = arith.addf %parallel_loop3A_163, %parallel_loop3A_177 : vector<16xf32>
        %parallel_loop3A_207 = arith.addf %parallel_loop3A_191, %parallel_loop3A_205 : vector<16xf32>
        %parallel_loop3A_208 = arith.addf %parallel_loop3A_206, %parallel_loop3A_207 : vector<16xf32>
        %parallel_loop3A_209 = arith.constant true
        %parallel_loop3A_210 = vector.broadcast %parallel_loop3A_209 : i1 to vector<16xi1>
        %parallel_loop3A_211 = tpu.scan <sum>, %parallel_loop3A_208 masked %parallel_loop3A_210 : vector<16xf32>, vector<16xi1> -> vector<16xf32>
        %parallel_loop3A_212 = arith.constant 0 : i32
        %parallel_loop3A_213 = vector.broadcast %parallel_loop3A_212 : i32 to vector<16xi32>
        %parallel_loop3A_214 = vector.broadcast %parallel_loop3A_149 : i32 to vector<16xi32>
        %parallel_loop3A_215 = arith.addi %parallel_loop3A_213, %parallel_loop3A_214 : vector<16xi32>
        tpu.vector_store_idx %arg10[%parallel_loop3A_215], %parallel_loop3A_211 masked %eq3A_4 : memref<208xf32, #tpu.memory_space<vmem>>[vector<16xi32>], vector<16xf32>, vector<16xi1>
      } {sc.loop_unroll_factor = 2 : i64, sc.parallel_access}
      %parallel_loop3A_89 = arith.constant 0 : i32
      %parallel_loop3A_90 = arith.constant 13 : i32
      %parallel_loop3A_91 = arith.constant 1 : i32
      scf.for %parallel_loop3A_149 = %parallel_loop3A_89 to %parallel_loop3A_90 step %parallel_loop3A_91  : i32 {
        %parallel_loop3A_150 = arith.constant 16 : i32
        %parallel_loop3A_151 = arith.muli %parallel_loop3A_149, %parallel_loop3A_150 : i32
        %parallel_loop3A_152 = arith.index_cast %parallel_loop3A_151 : i32 to index
        %parallel_loop3A_153 = tpu.vector_load %arg10[%parallel_loop3A_152] {strides = array<i32>} : memref<208xf32, #tpu.memory_space<vmem>>, vector<16xf32>,
        %parallel_loop3A_154 = arith.constant 0.000000e+00 : f32
        %parallel_loop3A_155 = vector.broadcast %parallel_loop3A_154 : f32 to vector<16xf32>
        %parallel_loop3A_156 = arith.subf %parallel_loop3A_155, %parallel_loop3A_153 : vector<16xf32>
        %parallel_loop3A_157 = math.exp %parallel_loop3A_156 : vector<16xf32>
        %parallel_loop3A_158 = arith.constant 1.000000e+00 : f32
        %parallel_loop3A_159 = vector.broadcast %parallel_loop3A_158 : f32 to vector<16xf32>
        %parallel_loop3A_160 = arith.addf %parallel_loop3A_159, %parallel_loop3A_157 : vector<16xf32>
        %parallel_loop3A_161 = arith.constant 1.000000e+00 : f32
        %parallel_loop3A_162 = vector.broadcast %parallel_loop3A_161 : f32 to vector<16xf32>
        %parallel_loop3A_163 = arith.divf %parallel_loop3A_162, %parallel_loop3A_160 : vector<16xf32>
        %parallel_loop3A_164 = arith.constant 16 : i32
        %parallel_loop3A_165 = arith.muli %parallel_loop3A_149, %parallel_loop3A_164 : i32
        %parallel_loop3A_166 = arith.index_cast %parallel_loop3A_165 : i32 to index
        %parallel_loop3A_167 = tpu.vector_load %arg10[%parallel_loop3A_166] {strides = array<i32>} : memref<208xf32, #tpu.memory_space<vmem>>, vector<16xf32>,
        tpu.vector_store %arg10[%parallel_loop3A_166], %parallel_loop3A_163 {strides = array<i32>} : memref<208xf32, #tpu.memory_space<vmem>>, vector<16xf32>,
      } {sc.loop_unroll_factor = 1 : i64, sc.parallel_access}
      %mul3A_92 = arith.constant 200 : i32
      %mul3A_93 = arith.muli %add3A_62, %mul3A_92 : i32
      %add3A_94 = arith.addi %mul3A_2, %mul3A_93 : i32
      %dma_start3A_95 = arith.constant 0 : i32
      %dma_start3A_96 = tpu.memref_slice %arg10[%dma_start3A_95] : memref<208xf32, #tpu.memory_space<vmem>> -> memref<200xf32, #tpu.memory_space<vmem>>
      %dma_start3A_97 = tpu.memref_slice %arg5[%add3A_94] : memref<320000xf32, #tpu.memory_space<hbm>> -> memref<200xf32, #tpu.memory_space<hbm>>
      %dma_start3A_98 = tpu.memref_slice %arg5[%add3A_94] : memref<320000xf32, #tpu.memory_space<hbm>> -> memref<200xf32, #tpu.memory_space<hbm>>
      %dma_start3A_99 = arith.constant 0 : i32
      %dma_start3A_100 = tpu.memref_slice %arg10[%dma_start3A_99] : memref<208xf32, #tpu.memory_space<vmem>> -> memref<200xf32, #tpu.memory_space<vmem>>
      tpu.enqueue_dma source(%dma_start3A_100 : memref<200xf32, #tpu.memory_space<vmem>>) target(%dma_start3A_98 : memref<200xf32, #tpu.memory_space<hbm>>) target_semaphore(%arg17 : memref<!tpu.dma_semaphore, #tpu.memory_space<semaphore_mem>>)
      %mul3A_101 = arith.constant 2 : i32
      %mul3A_102 = arith.muli %scan3A_57, %mul3A_101 : i32
      %add3A_103 = arith.constant 1 : i32
      %add3A_104 = arith.addi %mul3A_102, %add3A_103 : i32
      %dma_wait3A_105 = arith.constant 0 : i32
      %dma_wait3A_106 = arith.constant 0 : i32
      %dma_wait3A_107 = tpu.memref_slice %arg9[%dma_wait3A_105, %dma_wait3A_106] : memref<400x64xi32, #tpu.memory_space<vmem>> -> memref<200x64xi32, #tpu.memory_space<vmem>>
      %dma_wait3A_108 = arith.constant 0 : i32
      %dma_wait3A_109 = tpu.memref_slice %arg6[%dma_wait3A_108] : memref<20000xi32, #tpu.memory_space<vmem>> -> memref<200xi32, #tpu.memory_space<vmem>>
      %dma_wait3A_110 = arith.constant 0 : i32
      %dma_wait3A_111 = arith.constant 0 : i32
      %dma_wait3A_112 = tpu.memref_slice %arg7[%dma_wait3A_110, %dma_wait3A_111] : memref<10000x64xi32, #tpu.memory_space<vmem_shared>> -> memref<10000x64xi32, #tpu.memory_space<vmem_shared>>
      tpu.wait_indirect_dma semaphore(%arg16 : memref<!tpu.dma_semaphore, #tpu.memory_space<semaphore_mem>>) src(%dma_wait3A_112 : memref<10000x64xi32, #tpu.memory_space<vmem_shared>>) dst(%dma_wait3A_107 : memref<200x64xi32, #tpu.memory_space<vmem>>)
      %dma_wait3A_113 = arith.constant 200 : i32
      %dma_wait3A_114 = arith.constant 0 : i32
      %dma_wait3A_115 = tpu.memref_slice %arg9[%dma_wait3A_113, %dma_wait3A_114] : memref<400x64xi32, #tpu.memory_space<vmem>> -> memref<200x64xi32, #tpu.memory_space<vmem>>
      %dma_wait3A_116 = arith.constant 0 : i32
      %dma_wait3A_117 = tpu.memref_slice %arg6[%dma_wait3A_116] : memref<20000xi32, #tpu.memory_space<vmem>> -> memref<200xi32, #tpu.memory_space<vmem>>
      %dma_wait3A_118 = arith.constant 0 : i32
      %dma_wait3A_119 = arith.constant 0 : i32
      %dma_wait3A_120 = tpu.memref_slice %arg7[%dma_wait3A_118, %dma_wait3A_119] : memref<10000x64xi32, #tpu.memory_space<vmem_shared>> -> memref<10000x64xi32, #tpu.memory_space<vmem_shared>>
      tpu.wait_indirect_dma semaphore(%arg14 : memref<!tpu.dma_semaphore, #tpu.memory_space<semaphore_mem>>) src(%dma_wait3A_120 : memref<10000x64xi32, #tpu.memory_space<vmem_shared>>) dst(%dma_wait3A_115 : memref<200x64xi32, #tpu.memory_space<vmem>>)
      %add3A_121 = arith.constant 1 : i32
      %add3A_122 = arith.addi %add3A_104, %add3A_121 : i32
      %lt3A_123 = arith.constant 50 : i32
      %lt3A_124 = arith.cmpi slt, %add3A_122, %lt3A_123 : i32
      %convert_element_type3A_125 = arith.extui %lt3A_124 : i1 to i32
      %cond3A_126 = arith.constant 0 : i32
      %cond3A_127 = arith.cmpi ne, %convert_element_type3A_125, %cond3A_126 : i32
      scf.if %cond3A_127 {
        %add3A_149 = arith.constant 1 : i32
        %add3A_150 = arith.addi %add3A_104, %add3A_149 : i32
        %mul3A_151 = arith.constant 200 : i32
        %mul3A_152 = arith.muli %add3A_150, %mul3A_151 : i32
        %dma_start3A_153 = arith.constant 0 : i32
        %dma_start3A_154 = arith.constant 0 : i32
        %dma_start3A_155 = tpu.memref_slice %arg8[%dma_start3A_153, %dma_start3A_154] : memref<400x64xi32, #tpu.memory_space<vmem>> -> memref<200x64xi32, #tpu.memory_space<vmem>>
        %dma_start3A_156 = tpu.memref_slice %arg6[%mul3A_152] : memref<20000xi32, #tpu.memory_space<vmem>> -> memref<200xi32, #tpu.memory_space<vmem>>
        %dma_start3A_157 = arith.constant 0 : i32
        %dma_start3A_158 = arith.constant 0 : i32
        %dma_start3A_159 = tpu.memref_slice %arg7[%dma_start3A_157, %dma_start3A_158] : memref<10000x64xi32, #tpu.memory_space<vmem_shared>> -> memref<10000x64xi32, #tpu.memory_space<vmem_shared>>
        tpu.enqueue_indirect_dma source(%dma_start3A_159 : memref<10000x64xi32, #tpu.memory_space<vmem_shared>>) target(%dma_start3A_155 : memref<200x64xi32, #tpu.memory_space<vmem>>) offsets(%dma_start3A_156 : memref<200xi32, #tpu.memory_space<vmem>>) semaphore(%arg15 : memref<!tpu.dma_semaphore, #tpu.memory_space<semaphore_mem>>)
        %mul3A_160 = arith.constant 200 : i32
        %mul3A_161 = arith.muli %add3A_150, %mul3A_160 : i32
        %add3A_162 = arith.constant 10000 : i32
        %add3A_163 = arith.addi %add3A_162, %mul3A_161 : i32
        %dma_start3A_164 = arith.constant 200 : i32
        %dma_start3A_165 = arith.constant 0 : i32
        %dma_start3A_166 = tpu.memref_slice %arg8[%dma_start3A_164, %dma_start3A_165] : memref<400x64xi32, #tpu.memory_space<vmem>> -> memref<200x64xi32, #tpu.memory_space<vmem>>
        %dma_start3A_167 = tpu.memref_slice %arg6[%add3A_163] : memref<20000xi32, #tpu.memory_space<vmem>> -> memref<200xi32, #tpu.memory_space<vmem>>
        %dma_start3A_168 = arith.constant 0 : i32
        %dma_start3A_169 = arith.constant 0 : i32
        %dma_start3A_170 = tpu.memref_slice %arg7[%dma_start3A_168, %dma_start3A_169] : memref<10000x64xi32, #tpu.memory_space<vmem_shared>> -> memref<10000x64xi32, #tpu.memory_space<vmem_shared>>
        tpu.enqueue_indirect_dma source(%dma_start3A_170 : memref<10000x64xi32, #tpu.memory_space<vmem_shared>>) target(%dma_start3A_166 : memref<200x64xi32, #tpu.memory_space<vmem>>) offsets(%dma_start3A_167 : memref<200xi32, #tpu.memory_space<vmem>>) semaphore(%arg13 : memref<!tpu.dma_semaphore, #tpu.memory_space<semaphore_mem>>)
      } else {
      }
      %ge3A_128 = arith.constant 2 : i32
      %ge3A_129 = arith.cmpi sge, %add3A_104, %ge3A_128 : i32
      %convert_element_type3A_130 = arith.extui %ge3A_129 : i1 to i32
      %cond3A_131 = arith.constant 0 : i32
      %cond3A_132 = arith.cmpi ne, %convert_element_type3A_130, %cond3A_131 : i32
      scf.if %cond3A_132 {
        %dma_wait3A_149 = arith.constant 0 : i32
        %dma_wait3A_150 = tpu.memref_slice %arg11[%dma_wait3A_149] : memref<208xf32, #tpu.memory_space<vmem>> -> memref<200xf32, #tpu.memory_space<vmem>>
        %dma_wait3A_151 = tpu.memref_slice %arg5[%mul3A_2] : memref<320000xf32, #tpu.memory_space<hbm>> -> memref<200xf32, #tpu.memory_space<hbm>>
        %dma_wait3A_152 = tpu.memref_slice %arg5[%mul3A_2] : memref<320000xf32, #tpu.memory_space<hbm>> -> memref<200xf32, #tpu.memory_space<hbm>>
        %dma_wait3A_153 = arith.constant 0 : i32
        %dma_wait3A_154 = tpu.memref_slice %arg11[%dma_wait3A_153] : memref<208xf32, #tpu.memory_space<vmem>> -> memref<200xf32, #tpu.memory_space<vmem>>
        tpu.wait_dma2 semaphore(%arg18 : memref<!tpu.dma_semaphore, #tpu.memory_space<semaphore_mem>>) src(%dma_wait3A_154 : memref<200xf32, #tpu.memory_space<vmem>>) dst(%dma_wait3A_152 : memref<200xf32, #tpu.memory_space<hbm>>)
      } else {
      }
      %parallel_loop3A_133 = arith.constant 0 : i32
      %parallel_loop3A_134 = arith.constant 200 : i32
      %parallel_loop3A_135 = arith.constant 1 : i32
      scf.for %parallel_loop3A_149 = %parallel_loop3A_133 to %parallel_loop3A_134 step %parallel_loop3A_135  : i32 {
        %parallel_loop3A_150 = arith.index_cast %parallel_loop3A_149 : i32 to index
        %parallel_loop3A_151 = arith.constant 0 : index
        %parallel_loop3A_152 = tpu.vector_load %arg9[%parallel_loop3A_150, %parallel_loop3A_151] {strides = array<i32>} : memref<400x64xi32, #tpu.memory_space<vmem>>, vector<16xi32>,
        %parallel_loop3A_153 = arith.constant 200 : i32
        %parallel_loop3A_154 = arith.addi %parallel_loop3A_149, %parallel_loop3A_153 : i32
        %parallel_loop3A_155 = arith.index_cast %parallel_loop3A_154 : i32 to index
        %parallel_loop3A_156 = arith.constant 0 : index
        %parallel_loop3A_157 = tpu.vector_load %arg9[%parallel_loop3A_155, %parallel_loop3A_156] {strides = array<i32>} : memref<400x64xi32, #tpu.memory_space<vmem>>, vector<16xi32>,
        %parallel_loop3A_158 = vector.bitcast %parallel_loop3A_152 : vector<16xi32> to vector<32xbf16>
        %parallel_loop3A_159 = vector.bitcast %parallel_loop3A_157 : vector<16xi32> to vector<32xbf16>
        %parallel_loop3A_160 = arith.mulf %parallel_loop3A_158, %parallel_loop3A_159 : vector<32xbf16>
        %parallel_loop3A_161 = tpu.unpack_subelements %parallel_loop3A_160, 0 {pack_format = #tpu.pack_format<interleaved>} : vector<32xbf16> -> vector<16xf32>
        %parallel_loop3A_162 = tpu.unpack_subelements %parallel_loop3A_160, 1 {pack_format = #tpu.pack_format<interleaved>} : vector<32xbf16> -> vector<16xf32>
        %parallel_loop3A_163 = arith.addf %parallel_loop3A_161, %parallel_loop3A_162 : vector<16xf32>
        %parallel_loop3A_164 = arith.index_cast %parallel_loop3A_149 : i32 to index
        %parallel_loop3A_165 = arith.constant 16 : index
        %parallel_loop3A_166 = tpu.vector_load %arg9[%parallel_loop3A_164, %parallel_loop3A_165] {strides = array<i32>} : memref<400x64xi32, #tpu.memory_space<vmem>>, vector<16xi32>,
        %parallel_loop3A_167 = arith.constant 200 : i32
        %parallel_loop3A_168 = arith.addi %parallel_loop3A_149, %parallel_loop3A_167 : i32
        %parallel_loop3A_169 = arith.index_cast %parallel_loop3A_168 : i32 to index
        %parallel_loop3A_170 = arith.constant 16 : index
        %parallel_loop3A_171 = tpu.vector_load %arg9[%parallel_loop3A_169, %parallel_loop3A_170] {strides = array<i32>} : memref<400x64xi32, #tpu.memory_space<vmem>>, vector<16xi32>,
        %parallel_loop3A_172 = vector.bitcast %parallel_loop3A_166 : vector<16xi32> to vector<32xbf16>
        %parallel_loop3A_173 = vector.bitcast %parallel_loop3A_171 : vector<16xi32> to vector<32xbf16>
        %parallel_loop3A_174 = arith.mulf %parallel_loop3A_172, %parallel_loop3A_173 : vector<32xbf16>
        %parallel_loop3A_175 = tpu.unpack_subelements %parallel_loop3A_174, 0 {pack_format = #tpu.pack_format<interleaved>} : vector<32xbf16> -> vector<16xf32>
        %parallel_loop3A_176 = tpu.unpack_subelements %parallel_loop3A_174, 1 {pack_format = #tpu.pack_format<interleaved>} : vector<32xbf16> -> vector<16xf32>
        %parallel_loop3A_177 = arith.addf %parallel_loop3A_175, %parallel_loop3A_176 : vector<16xf32>
        %parallel_loop3A_178 = arith.index_cast %parallel_loop3A_149 : i32 to index
        %parallel_loop3A_179 = arith.constant 32 : index
        %parallel_loop3A_180 = tpu.vector_load %arg9[%parallel_loop3A_178, %parallel_loop3A_179] {strides = array<i32>} : memref<400x64xi32, #tpu.memory_space<vmem>>, vector<16xi32>,
        %parallel_loop3A_181 = arith.constant 200 : i32
        %parallel_loop3A_182 = arith.addi %parallel_loop3A_149, %parallel_loop3A_181 : i32
        %parallel_loop3A_183 = arith.index_cast %parallel_loop3A_182 : i32 to index
        %parallel_loop3A_184 = arith.constant 32 : index
        %parallel_loop3A_185 = tpu.vector_load %arg9[%parallel_loop3A_183, %parallel_loop3A_184] {strides = array<i32>} : memref<400x64xi32, #tpu.memory_space<vmem>>, vector<16xi32>,
        %parallel_loop3A_186 = vector.bitcast %parallel_loop3A_180 : vector<16xi32> to vector<32xbf16>
        %parallel_loop3A_187 = vector.bitcast %parallel_loop3A_185 : vector<16xi32> to vector<32xbf16>
        %parallel_loop3A_188 = arith.mulf %parallel_loop3A_186, %parallel_loop3A_187 : vector<32xbf16>
        %parallel_loop3A_189 = tpu.unpack_subelements %parallel_loop3A_188, 0 {pack_format = #tpu.pack_format<interleaved>} : vector<32xbf16> -> vector<16xf32>
        %parallel_loop3A_190 = tpu.unpack_subelements %parallel_loop3A_188, 1 {pack_format = #tpu.pack_format<interleaved>} : vector<32xbf16> -> vector<16xf32>
        %parallel_loop3A_191 = arith.addf %parallel_loop3A_189, %parallel_loop3A_190 : vector<16xf32>
        %parallel_loop3A_192 = arith.index_cast %parallel_loop3A_149 : i32 to index
        %parallel_loop3A_193 = arith.constant 48 : index
        %parallel_loop3A_194 = tpu.vector_load %arg9[%parallel_loop3A_192, %parallel_loop3A_193] {strides = array<i32>} : memref<400x64xi32, #tpu.memory_space<vmem>>, vector<16xi32>,
        %parallel_loop3A_195 = arith.constant 200 : i32
        %parallel_loop3A_196 = arith.addi %parallel_loop3A_149, %parallel_loop3A_195 : i32
        %parallel_loop3A_197 = arith.index_cast %parallel_loop3A_196 : i32 to index
        %parallel_loop3A_198 = arith.constant 48 : index
        %parallel_loop3A_199 = tpu.vector_load %arg9[%parallel_loop3A_197, %parallel_loop3A_198] {strides = array<i32>} : memref<400x64xi32, #tpu.memory_space<vmem>>, vector<16xi32>,
        %parallel_loop3A_200 = vector.bitcast %parallel_loop3A_194 : vector<16xi32> to vector<32xbf16>
        %parallel_loop3A_201 = vector.bitcast %parallel_loop3A_199 : vector<16xi32> to vector<32xbf16>
        %parallel_loop3A_202 = arith.mulf %parallel_loop3A_200, %parallel_loop3A_201 : vector<32xbf16>
        %parallel_loop3A_203 = tpu.unpack_subelements %parallel_loop3A_202, 0 {pack_format = #tpu.pack_format<interleaved>} : vector<32xbf16> -> vector<16xf32>
        %parallel_loop3A_204 = tpu.unpack_subelements %parallel_loop3A_202, 1 {pack_format = #tpu.pack_format<interleaved>} : vector<32xbf16> -> vector<16xf32>
        %parallel_loop3A_205 = arith.addf %parallel_loop3A_203, %parallel_loop3A_204 : vector<16xf32>
        %parallel_loop3A_206 = arith.addf %parallel_loop3A_163, %parallel_loop3A_177 : vector<16xf32>
        %parallel_loop3A_207 = arith.addf %parallel_loop3A_191, %parallel_loop3A_205 : vector<16xf32>
        %parallel_loop3A_208 = arith.addf %parallel_loop3A_206, %parallel_loop3A_207 : vector<16xf32>
        %parallel_loop3A_209 = arith.constant true
        %parallel_loop3A_210 = vector.broadcast %parallel_loop3A_209 : i1 to vector<16xi1>
        %parallel_loop3A_211 = tpu.scan <sum>, %parallel_loop3A_208 masked %parallel_loop3A_210 : vector<16xf32>, vector<16xi1> -> vector<16xf32>
        %parallel_loop3A_212 = arith.constant 0 : i32
        %parallel_loop3A_213 = vector.broadcast %parallel_loop3A_212 : i32 to vector<16xi32>
        %parallel_loop3A_214 = vector.broadcast %parallel_loop3A_149 : i32 to vector<16xi32>
        %parallel_loop3A_215 = arith.addi %parallel_loop3A_213, %parallel_loop3A_214 : vector<16xi32>
        tpu.vector_store_idx %arg11[%parallel_loop3A_215], %parallel_loop3A_211 masked %eq3A_4 : memref<208xf32, #tpu.memory_space<vmem>>[vector<16xi32>], vector<16xf32>, vector<16xi1>
      } {sc.loop_unroll_factor = 2 : i64, sc.parallel_access}
      %parallel_loop3A_136 = arith.constant 0 : i32
      %parallel_loop3A_137 = arith.constant 13 : i32
      %parallel_loop3A_138 = arith.constant 1 : i32
      scf.for %parallel_loop3A_149 = %parallel_loop3A_136 to %parallel_loop3A_137 step %parallel_loop3A_138  : i32 {
        %parallel_loop3A_150 = arith.constant 16 : i32
        %parallel_loop3A_151 = arith.muli %parallel_loop3A_149, %parallel_loop3A_150 : i32
        %parallel_loop3A_152 = arith.index_cast %parallel_loop3A_151 : i32 to index
        %parallel_loop3A_153 = tpu.vector_load %arg11[%parallel_loop3A_152] {strides = array<i32>} : memref<208xf32, #tpu.memory_space<vmem>>, vector<16xf32>,
        %parallel_loop3A_154 = arith.constant 0.000000e+00 : f32
        %parallel_loop3A_155 = vector.broadcast %parallel_loop3A_154 : f32 to vector<16xf32>
        %parallel_loop3A_156 = arith.subf %parallel_loop3A_155, %parallel_loop3A_153 : vector<16xf32>
        %parallel_loop3A_157 = math.exp %parallel_loop3A_156 : vector<16xf32>
        %parallel_loop3A_158 = arith.constant 1.000000e+00 : f32
        %parallel_loop3A_159 = vector.broadcast %parallel_loop3A_158 : f32 to vector<16xf32>
        %parallel_loop3A_160 = arith.addf %parallel_loop3A_159, %parallel_loop3A_157 : vector<16xf32>
        %parallel_loop3A_161 = arith.constant 1.000000e+00 : f32
        %parallel_loop3A_162 = vector.broadcast %parallel_loop3A_161 : f32 to vector<16xf32>
        %parallel_loop3A_163 = arith.divf %parallel_loop3A_162, %parallel_loop3A_160 : vector<16xf32>
        %parallel_loop3A_164 = arith.constant 16 : i32
        %parallel_loop3A_165 = arith.muli %parallel_loop3A_149, %parallel_loop3A_164 : i32
        %parallel_loop3A_166 = arith.index_cast %parallel_loop3A_165 : i32 to index
        %parallel_loop3A_167 = tpu.vector_load %arg11[%parallel_loop3A_166] {strides = array<i32>} : memref<208xf32, #tpu.memory_space<vmem>>, vector<16xf32>,
        tpu.vector_store %arg11[%parallel_loop3A_166], %parallel_loop3A_163 {strides = array<i32>} : memref<208xf32, #tpu.memory_space<vmem>>, vector<16xf32>,
      } {sc.loop_unroll_factor = 1 : i64, sc.parallel_access}
      %mul3A_139 = arith.constant 200 : i32
      %mul3A_140 = arith.muli %add3A_104, %mul3A_139 : i32
      %add3A_141 = arith.addi %mul3A_2, %mul3A_140 : i32
      %dma_start3A_142 = arith.constant 0 : i32
      %dma_start3A_143 = tpu.memref_slice %arg11[%dma_start3A_142] : memref<208xf32, #tpu.memory_space<vmem>> -> memref<200xf32, #tpu.memory_space<vmem>>
      %dma_start3A_144 = tpu.memref_slice %arg5[%add3A_141] : memref<320000xf32, #tpu.memory_space<hbm>> -> memref<200xf32, #tpu.memory_space<hbm>>
      %dma_start3A_145 = tpu.memref_slice %arg5[%add3A_141] : memref<320000xf32, #tpu.memory_space<hbm>> -> memref<200xf32, #tpu.memory_space<hbm>>
      %dma_start3A_146 = arith.constant 0 : i32
      %dma_start3A_147 = tpu.memref_slice %arg11[%dma_start3A_146] : memref<208xf32, #tpu.memory_space<vmem>> -> memref<200xf32, #tpu.memory_space<vmem>>
      tpu.enqueue_dma source(%dma_start3A_147 : memref<200xf32, #tpu.memory_space<vmem>>) target(%dma_start3A_145 : memref<200xf32, #tpu.memory_space<hbm>>) target_semaphore(%arg18 : memref<!tpu.dma_semaphore, #tpu.memory_space<semaphore_mem>>)
      %scan3A_148 = arith.constant 0 : i32
      scf.yield %scan3A_148 : i32
    }
    %scan3A_44 = arith.constant 25 : i32
    %dma_wait3A_45 = arith.constant 0 : i32
    %dma_wait3A_46 = tpu.memref_slice %arg10[%dma_wait3A_45] : memref<208xf32, #tpu.memory_space<vmem>> -> memref<200xf32, #tpu.memory_space<vmem>>
    %dma_wait3A_47 = tpu.memref_slice %arg5[%mul3A_2] : memref<320000xf32, #tpu.memory_space<hbm>> -> memref<200xf32, #tpu.memory_space<hbm>>
    %dma_wait3A_48 = tpu.memref_slice %arg5[%mul3A_2] : memref<320000xf32, #tpu.memory_space<hbm>> -> memref<200xf32, #tpu.memory_space<hbm>>
    %dma_wait3A_49 = arith.constant 0 : i32
    %dma_wait3A_50 = tpu.memref_slice %arg10[%dma_wait3A_49] : memref<208xf32, #tpu.memory_space<vmem>> -> memref<200xf32, #tpu.memory_space<vmem>>
    tpu.wait_dma2 semaphore(%arg17 : memref<!tpu.dma_semaphore, #tpu.memory_space<semaphore_mem>>) src(%dma_wait3A_50 : memref<200xf32, #tpu.memory_space<vmem>>) dst(%dma_wait3A_48 : memref<200xf32, #tpu.memory_space<hbm>>)
    %dma_wait3A_51 = arith.constant 0 : i32
    %dma_wait3A_52 = tpu.memref_slice %arg11[%dma_wait3A_51] : memref<208xf32, #tpu.memory_space<vmem>> -> memref<200xf32, #tpu.memory_space<vmem>>
    %dma_wait3A_53 = tpu.memref_slice %arg5[%mul3A_2] : memref<320000xf32, #tpu.memory_space<hbm>> -> memref<200xf32, #tpu.memory_space<hbm>>
    %dma_wait3A_54 = tpu.memref_slice %arg5[%mul3A_2] : memref<320000xf32, #tpu.memory_space<hbm>> -> memref<200xf32, #tpu.memory_space<hbm>>
    %dma_wait3A_55 = arith.constant 0 : i32
    %dma_wait3A_56 = tpu.memref_slice %arg11[%dma_wait3A_55] : memref<208xf32, #tpu.memory_space<vmem>> -> memref<200xf32, #tpu.memory_space<vmem>>
    tpu.wait_dma2 semaphore(%arg18 : memref<!tpu.dma_semaphore, #tpu.memory_space<semaphore_mem>>) src(%dma_wait3A_56 : memref<200xf32, #tpu.memory_space<vmem>>) dst(%dma_wait3A_54 : memref<200xf32, #tpu.memory_space<hbm>>)
    return
  }
}

</mosaic_0001>

<sc_bundles>
// kernel: kernel.3.cloned.1.call-start
scs
__scs_entry_jumppad:
0x0: {  	(pc) =	sbr.rel $0x88, $3  }
0x1: {  	(tag) =	ssettag $0x0;
	lr =	simm.s32 $0x1  }
0x2: {  	[smem:$0x3F9F] =	sst lr;
	_ =	strace $0xD0000000  }
0x3: {  	_ = 	snop  }
0x4: {  	_ = 	snop  }
0x5: {  	_ = 	snop  }
0x6: {  	_ = 	snop  }
0x7: {  	_ = 	snop  }
__scs_overlays_trampoline_lowered:
0x8: {  	[smem:$0x3FAE] =	sst s0  }
0x9: {  	[smem:$0x3FAF] =	sst s1  }
0xa: {  	[smem:$0x3FB0] =	sst s2  }
0xb: {  	[smem:$0x3FB1] =	sst s3  }
0xc: {  	[smem:$0x3FB2] =	sst s4  }
0xd: {  	[smem:$0x3FB3] =	sst s5  }
0xe: {  	[smem:$0x3FB4] =	sst s6  }
0xf: {  	[smem:$0x3FB5] =	sst s7  }
0x10: {  	[smem:$0x3FB6] =	sst s8  }
0x11: {  	[smem:$0x3FB7] =	sst s9;
	s0 =	simm.s32 @!p0 $0x0  }
0x12: {  	s1 =	sld [smem:$0x3F9D];
	s0 =	simm.s32 @p0 $0x1  }
0x13: {  	[smem:$0x3FB8] =	sst s0;
	s0 =	simm.s32 @!p1 $0x0  }
0x14: {  	s2 =	sld [smem:$0x3F9C];
	s0 =	simm.s32 @p1 $0x1  }
0x15: {  	[smem:$0x3FB9] =	sst s0;
	s0 =	simm.s32 @!p2 $0x0  }
0x16: {  	s3 =	sld [smem:$0x3FDB];
	s0 =	simm.s32 @p2 $0x1  }
0x17: {  	s4 =	simm.s32 $0x1BF5;
	[smem:$0x3FBB] =	sst s0  }
0x18: {  	s0 =	sld [smem:$0x3F9E];
	_ =	swait.ge [sflag:s4], $0x0  }
0x19: {  	s7 =	sld [smem:$0x3F9F]  }
0x1a: {  	s8 =	sadd.s32 $0xFFFFE003, lr  }
0x1b: {  	s9 =	sadd.s32 $0xFFFFFEF7, lr;
	s5 =	simm.s32 $0xFFFFFFFF;
	p2 =	slt.u32 s8, $0xFFFFF086  }
0x1c: {  	p1 =	slt.u32 s9, $0xF7A;
	s5 =	simm.s32 @!p2 $0x0  }
0x1d: {  	s5 =	simm.s32 @p1 $0x1;
	p0 =	seq.s32 s7, s2  }
0x1e: {  	s7 =	smul.u32 @!p0 $0xF7A, s2;
	p2 =	seq.s32 @!p0 s5, $0x0  }
0x1f: {  	s9 =	smul.u32 $0xF7A, s1;
	s8 =	simm.s32 @!p0 $0x1BF5;
	p2 =	por !p2, p0  }
0x20: {  	[sflag:s8] =	ssyncset.s32 @!p0 $0xFFFFF086;
	s6 =	sadd.s32 @!p0 s3, s7;
	s7 =	simm.s32 @!p0 $0x108  }
0x21: {  	s3 =	sadd.s32 s3, s9;
	s6 =	sadd.s32 @!p0 $0x88, s6;
	s7 =	simm.s32 @p2 $0x1082  }
0x22: {  	[simem:s7], [sflag:s8] =	dma.local @!p0 [hbm:s6], $0xF7A  }
0x23: {  	s9 =	sor.u32 $0xD0000000, s2;
	s6 =	simm.s32 $0x108;
	_ =	swait.ge @!p0 [sflag:s8], $0x0  }
0x24: {  	s3 =	sadd.s32 $0x88, s3;
	s6 =	simm.s32 @!p1 $0x1082;
	[sflag:s4] =	ssyncset.s32 $0xFFFFF086  }
0x25: {  	[simem:s6], [sflag:s4] =	dma.local [hbm:s3], $0xF7A  }
0x26: {  	[smem:$0x3F9F] =	sst s1;
	(tag) =	ssettag s2;
	_ =	strace s9  }
0x27: {  	s1 =	sld [smem:$0x3FAF]  }
0x28: {  	s2 =	sld [smem:$0x3FB0]  }
0x29: {  	s4 =	sld [smem:$0x3FB2]  }
0x2a: {  	p0 =	seq.s32 s5, $0x0;
	s5 =	sld [smem:$0x3FB3]  }
0x2b: {  	s6 =	sld [smem:$0x3FB4]  }
0x2c: {  	s7 =	sld [smem:$0x3FB5]  }
0x2d: {  	s3 =	simm.s32 $0x108;
	s8 =	sld [smem:$0x3FB6]  }
0x2e: {  	s3 =	simm.s32 @!p0 $0x1082;
	s9 =	sld [smem:$0x3FB7]  }
0x2f: {  	lr =	sadd.s32 s0, s3;
	s0 =	sld [smem:$0x3FAE]  }
0x30: {  	s3 =	sld [smem:$0x3FB1]  }
0x31: {  	[smem:$0x3FBA] =	sst s10  }
0x32: {  	s10 =	sld [smem:$0x3FB8];
	_ =	sdelay $0x3  }
0x33: {  	p0 =	seq.s32 s10, $0x1;
	s10 =	sld [smem:$0x3FBA];
	_ =	sdelay $0x3  }
0x34: {  	[smem:$0x3FBA] =	sst s10  }
0x35: {  	s10 =	sld [smem:$0x3FB9];
	_ =	sdelay $0x3  }
0x36: {  	p1 =	seq.s32 s10, $0x1;
	s10 =	sld [smem:$0x3FBA];
	_ =	sdelay $0x3  }
0x37: {  	[smem:$0x3FBA] =	sst s10  }
0x38: {  	s10 =	sld [smem:$0x3FBB]  }
0x39: {  	_ = 	snop;
	(pc) =	sbr.ind lr, $3  }
0x3a: {  	_ = 	snop  }
0x3b: {  	_ = 	snop  }
0x3c: {  	p2 =	seq.s32 s10, $0x1;
	s10 =	sld [smem:$0x3FBA]  }
0x3d: {  	_ =	shalt  }
0x3e: {  	_ =	shalt  }
0x3f: {  	_ =	shalt  }
0x40: {  	_ =	shalt  }
0x41: {  	_ =	shalt  }
0x42: {  	_ =	shalt  }
0x43: {  	_ =	shalt  }
0x44: {  	_ =	shalt  }
0x45: {  	_ =	shalt  }
0x46: {  	_ =	shalt  }
0x47: {  	_ =	shalt  }
0x48: {  	_ =	shalt  }
0x49: {  	_ =	shalt  }
0x4a: {  	_ =	shalt  }
0x4b: {  	_ =	shalt  }
0x4c: {  	_ =	shalt  }
0x4d: {  	_ =	shalt  }
0x4e: {  	_ =	shalt  }
0x4f: {  	_ =	shalt  }
0x50: {  	_ =	shalt  }
0x51: {  	_ =	shalt  }
0x52: {  	_ =	shalt  }
0x53: {  	_ =	shalt  }
0x54: {  	_ =	shalt  }
0x55: {  	_ =	shalt  }
0x56: {  	_ =	shalt  }
0x57: {  	_ =	shalt  }
0x58: {  	_ =	shalt  }
0x59: {  	_ =	shalt  }
0x5a: {  	_ =	shalt  }
0x5b: {  	_ =	shalt  }
0x5c: {  	_ =	shalt  }
0x5d: {  	_ =	shalt  }
0x5e: {  	_ =	shalt  }
0x5f: {  	_ =	shalt  }
0x60: {  	_ =	shalt  }
0x61: {  	_ =	shalt  }
0x62: {  	_ =	shalt  }
0x63: {  	_ =	shalt  }
0x64: {  	_ =	shalt  }
0x65: {  	_ =	shalt  }
0x66: {  	_ =	shalt  }
0x67: {  	_ =	shalt  }
0x68: {  	_ =	shalt  }
0x69: {  	_ =	shalt  }
0x6a: {  	_ =	shalt  }
0x6b: {  	_ =	shalt  }
0x6c: {  	_ =	shalt  }
0x6d: {  	_ =	shalt  }
0x6e: {  	_ =	shalt  }
0x6f: {  	_ =	shalt  }
0x70: {  	_ =	shalt  }
0x71: {  	_ =	shalt  }
0x72: {  	_ =	shalt  }
0x73: {  	_ =	shalt  }
0x74: {  	_ =	shalt  }
0x75: {  	_ =	shalt  }
0x76: {  	_ =	shalt  }
0x77: {  	_ =	shalt  }
0x78: {  	_ =	shalt  }
0x79: {  	_ =	shalt  }
0x7a: {  	_ =	shalt  }
0x7b: {  	_ =	shalt  }
0x7c: {  	_ =	shalt  }
0x7d: {  	_ =	shalt  }
0x7e: {  	_ =	shalt  }
0x7f: {  	_ =	shalt  }
0x80: {  	_ =	shalt  }
0x81: {  	_ =	shalt  }
0x82: {  	_ =	shalt  }
0x83: {  	_ =	shalt  }
0x84: {  	_ =	shalt  }
0x85: {  	_ =	shalt  }
0x86: {  	_ =	shalt  }
0x87: {  	_ =	shalt  }
.Lfunc_end0:
.L_simem_size_0:
called_computation_lowered:
.L_overlay_start_0:
0x88: {  	s2 =	sld [smem:$0x3FD9]  }
0x89: {  	s3 =	sld [smem:$0x3FFE];
	_ =	sdelay $0x1  }
0x8a: {  	s1 =	srdreg.scid  }
0x8b: {  	s0 =	sand.u32 $0x1, s1  }
0x8c: {  	s17 =	sshll.u32 s0, $0xA;
	s2 =	sadd.s32 s3, s2  }
0x8d: {  	s2 =	sadd.s32 s2, s17  }
0x8e: {  	[smem:$0x3FC6] =	sst s2  }
0x8f: {  	_ = 	snop  }
0x90: {  	s2 =	sld [smem:$0x3FD0];
	(tm) =	ssettm $0x1  }
0x91: {  	s18 =	sld [smem:$0x3FFB];
	_ =	sdelay $0x3  }
0x92: {  	_ =	strace s18  }
0x93: {  	s3 =	sld [smem:$0x3FFC];
	_ =	sdelay $0x3  }
0x94: {  	_ =	strace s3  }
0x95: {  	s3 =	sld [smem:$0x3FFD];
	_ =	sdelay $0x3  }
0x96: {  	_ =	strace s3  }
0x97: {  	_ =	strace $0x8FFFFFFF  }
0x98: {  	s19 =	sld [smem:$0x3FDB];
	_ =	sdelay $0x1  }
0x99: {  	s4 =	simm.s32 $_scs_section_size  }
0x9a: {  	s5 =	simm.s32 $_size__tile_overlayer_lowered;
	s6 =	simm.s32 $_tile_overlayer_lowered  }
0x9b: {  	s22 =	simm.s32 $0x1BFF;
	s21 =	sshll.u32 s6, $0x1;
	s3 =	sadd.s32 s4, s19  }
0x9c: {  	s7 =	simm.s32 $0x0;
	s20 =	sshll.u32 s5, $0x1;
	s5 =	sadd.s32 s21, s3  }
0x9d: {  	[timem:s7], [sflag:s22] =	dma.local [hbm:s5], s20  }
0x9e: {  	_ =	swait.ge [sflag:s22], s20  }
0x9f: {  	s4 =	ssub.s32 $0x0, s20;
	[sflag:s22] =	ssyncset.done $0x0  }
0xa0: {  	[sflag:s22] =	ssyncadd.s32 s4;
	_ =	sdelay $0x1  }
0xa1: {  	s23 =	simm.s32 $0x1B8B  }
0xa2: {  	_ =	swait.ge [sflag:s23], $0x1  }
0xa3: {  	[sflag:s23] =	ssyncset.done $0x0  }
0xa4: {  	s25 =	simm.s32 $0x1B8E;
	s24 =	sld [smem:$0x3FFE];
	[sflag:s23] =	ssyncadd.s32 $0xFFFFFFFF  }
0xa5: {  	s26 =	simm.s32 $execute0_lowered;
	[smem:$0x3FD2] =	sst s25  }
0xa6: {  	s5 =	sshll.u32 s26, $0x1;
	_ =	strace $0x80000046;
	[dreg:$0x1] =	wrdreg $0xFFFFFFFF  }
0xa7: {  	s28 =	simm.s32 $_size_execute0_lowered;
	s3 =	sadd.s32 s3, s5;
	[dreg:$0x0] =	wrdreg $0x0  }
0xa8: {  	s5 =	sshll.u32 s28, $0x1;
	[dreg:$0x2] =	wrdreg s3  }
0xa9: {  	[dreg:$0x3] =	wrdreg s5  }
0xaa: {  	[dreg:$0x4] =	wrdreg $0xC0  }
0xab: {  	_ =	task [dreg:s7], $0x5FFFF  }
0xac: {  	[dreg:$0x1] =	wrdreg $0xFFFFFFFF  }
0xad: {  	[dreg:$0x0] =	wrdreg $0x60  }
0xae: {  	[dreg:$0x2] =	wrdreg s24  }
0xaf: {  	[dreg:$0x3] =	wrdreg s2  }
0xb0: {  	[dreg:$0x4] =	wrdreg $0x4E200  }
0xb1: {  	[dreg:$0x5] =	wrdreg $0x9  }
0xb2: {  	_ =	task.clear_ibuf [dreg:s7], $0x6FFFF;
	_ =	strace $0x90000046  }
0xb3: {  	s29 =	simm.s32 $0x9;
	_ =	strace $0x80000048  }
0xb4: {  	_ =	swait.ge [sflag:s29], $0x1  }
0xb5: {  	[sflag:s29] =	ssyncadd.s32 $0xFFFFFFFF  }
0xb6: {  	_ =	strace $0x90000048  }
0xb7: {  	_ =	sfence  }
0xb8: {  	s30 =	sld [smem:$0x0];
	_ =	sdelay $0x2  }
0xb9: {  	s31 =	sshll.u32 s1, $0xD;
	s1 =	sshrl.u32 s1, $0x2  }
0xba: {  	s3 =	sand.u32 $0x4000, s31;
	s1 =	sadd.s32 s1, s30  }
0xbb: {  	s0 =	sor.u32 s3, s0;
	s1 =	sshll.u32 s1, $0x11  }
0xbc: {  	s0 =	sor.u32 s1, s0  }
0xbd: {  	s0 =	sadd.s32 $0x8F2B, s0  }
0xbe: {  	[sflag:s0] =	ssyncadd.remote.s32 $0x1  }
0xbf: {  	_ =	sfence.sel $0xFFFF  }
0xc0: {  	[dreg:$0x0] =	wrdreg $0xFFFFFFFF;
	(pc) =	sbr.abs _section_cstart, $3  }
0xc1: {  	[dreg:$0x1] =	wrdreg $0xFFFFFFFF  }
0xc2: {  	_ =	task.clear_ibuf [dreg:s7], $0x2FFFF;
	_ =	strace $0x9FFFFFFF  }
0xc3: {  	(tm) =	ssettm $0x7FFFFFFF  }
tec
execute0_lowered:
.L_overlay_start_1:
0x0: {  	(tag) =	ssettag $0x1  }
0x1: {  	s0 =	rddreg [dreg:$0x0]  }
0x2: {  	s1 =	srdreg.scid;
	s2 =	rddreg [dreg:$0x1]  }
0x3: {  	s9 =	stileid.u32;
	s3 =	rddreg [dreg:$0x2]  }
0x4: {  	s13 =	simm.s32 $0x8;
	s14 =	simm.s32 $0x1;
	s15 =	simm.s32 $0xC8  }
0x5: {  	s18 =	simm.s32 $0x4;
	s19 =	simm.s32 $0x2;
	s20 =	simm.s32 $0x14E60  }
0x6: {  	s21 =	simm.s32 $0x18060;
	s22 =	simm.s32 $0x1B260;
	s23 =	simm.s32 $0x5  }
0x7: {  	s24 =	simm.s32 $0x3;
	s25 =	simm.s32 $0x1B330;
	s28 =	simm.s32 $0x7  }
0x8: {  	s29 =	simm.s32 $0x0;
	s1 =	sand.u32 $0x1, s1;
	s4 =	sshll.u32 s9, $0x1  }
0x9: {  	s8 =	smul.u32 $0x9C40, s9;
	s9 =	sshll.u32 s9, $0x6;
	s5 =	sor.u32 s1, s4  }
0xa: {  	s4 =	simm.s32 $0x0;
	s1 =	ssub.s32 $0x2, s1;
	s5 =	smul.u32 $0x2710, s5  }
0xb: {  	s9 =	sor.u32 $0x1C08, s9;
	[smem:$0x7FF] =	sst s4;
	s7 =	sshrl.u32 s1, $0x1  }
0xc: {  	s30 =	sadd.s32 s8, s3;
	s31 =	sshrl.u32 s8, $0x3;
	s6 =	sshrl.u32 s5, $0x3  }
0xd: {  	_ =	strace $0x80000047;
	s6 =	sadd.s32 s6, s0;
	s0 =	sadd.s32 s0, s31  }
0xe: {  	s1 =	ssub.s32 s1, s7;
	s26 =	sadd.s32 $0x1D800, s6;
	[dreg:$0x6] =	wrdreg s0  }
0xf: {  	s12 =	sshrl.u32 s30, $0x3;
	s6 =	sadd.s32 $0x13A00, s6;
	[dreg:$0x4] =	wrdreg s26  }
0x10: {  	vm0 =	vcmask $0x3F3C;
	s10 =	smax.u32 s1, $0x1;
	[dreg:$0x5] =	wrdreg s6;
	s26 =	simm.s32 $0x6  }
.LBB2_1:
0x11: {  	s0 =	rddreg [dreg:$0x4]  }
0x12: {  	s11 =	rddreg [dreg:$0x5]  }
0x13: {  	[tilespmem:s4], [sflag:$0x1] =	stream.linear.gather [hbm4b:s0+s4], $0x2710, $0x38;
	[tilespmem:$0x1B400] =	vst v63  }
0x14: {  	s1 =	simm.s32 $0x2710;
	s16 =	rddreg [dreg:$0x6]  }
0x15: {  	[tilespmem:s1], [sflag:$0x1] =	stream.linear.gather [hbm4b:s11+s4], $0x2710, $0x38;
	[tilespmem:$0x1B400] =	vst v63  }
0x16: {  	[spmem:s12], [sflag:s9] =	dma.local [hbm:s16], $0x1388  }
0x17: {  	_ =	swait.ge [sflag:s13], $0x1388  }
0x18: {  	[sflag:s13] =	ssyncset.done $0x0  }
0x19: {  	[sflag:s13] =	ssyncadd.s32 $0xFFFFEC78  }
0x1a: {  	_ =	swait.ge [sflag:s14], $0x4E20  }
0x1b: {  	[sflag:s14] =	ssyncset.done $0x0  }
0x1c: {  	[sflag:s14] =	ssyncadd.s32 $0xFFFFB1E0  }
0x1d: {  	s17 =	simm.s32 $0xEA60;
	[bflag:$0x0] =	sbarrier.arrive $0xFFFF  }
0x1e: {  	[tilespmem:s17], [sflag:$0x4] =	stream.indirect.gather [spmem:s3], $0x40, s4, s15, $0xb8;
	[tilespmem:$0x1B400] =	vst v63  }
0x1f: {  	s31 =	simm.s32 $0x11C60;
	s30 =	simm.s32 $0x0  }
0x20: {  	[tilespmem:s31], [sflag:$0x2] =	stream.indirect.gather [spmem:s3], $0x40, s1, s15, $0xb8;
	[tilespmem:$0x1B400] =	vst v63  }
.LBB2_2:
0x21: {  	_ =	swait.ge [sflag:s18], $0x3200  }
0x22: {  	[sflag:s18] =	ssyncset.done $0x0  }
0x23: {  	[sflag:s18] =	ssyncadd.s32 $0xFFFFCE00  }
0x24: {  	s1 =	smul.u32 $0x190, s30;
	_ =	swait.ge [sflag:s19], $0x3200  }
0x25: {  	[sflag:s19] =	ssyncset.done $0x0  }
0x26: {  	s31 =	sadd.s32 $0xC8, s1;
	[sflag:s19] =	ssyncadd.s32 $0xFFFFCE00  }
0x27: {  	[tilespmem:s20], [sflag:$0x5] =	stream.indirect.gather [spmem:s3], $0x40, s31, s15, $0xb8;
	[tilespmem:$0x1B400] =	vst v63  }
0x28: {  	p0 =	seq.s32 s30, $0x0;
	s0 =	sadd.s32 $0x27D8, s1  }
0x29: {  	[tilespmem:s21], [sflag:$0x3] =	stream.indirect.gather [spmem:s3], $0x40, s0, s15, $0xb8;
	[tilespmem:$0x1B400] =	vst v63  }
0x2a: {  	s0 =	simm.s32 @!p0 $0x6  }
0x2b: {  	_ =	swait.ge @!p0 [sflag:s0], $0xC8  }
0x2c: {  	[sflag:s0] =	ssyncset.done @!p0 $0x0  }
0x2d: {  	s17 =	simm.s32 $0x11CD0;
	[sflag:s0] =	ssyncadd.s32 @!p0 $0xFFFFFF38  }
0x2e: {  	v0 =	vld [tilespmem:s17+$0xFFFFCDD0]  }
0x2f: {  	v1 =	vld [tilespmem:s17+$0xFFFFFFD0]  }
0x30: {  	v2 =	vld [tilespmem:s17+$0xFFFFCDE0]  }
0x31: {  	v3 =	vld [tilespmem:s17+$0xFFFFFFE0]  }
0x32: {  	v4 =	vld [tilespmem:s17+$0xFFFFCDF0]  }
0x33: {  	v5 =	vld [tilespmem:s17+$0xFFFFFFF0]  }
0x34: {  	v6 =	vld [tilespmem:s17+$0xFFFFCE00]  }
0x35: {  	v7 =	vld [tilespmem:s17+$0x0]  }
0x36: {  	v8 =	vld [tilespmem:s17+$0xFFFFFF90]  }
0x37: {  	v9 =	vld [tilespmem:s17+$0xFFFFCDA0]  }
0x38: {  	v10 =	vld [tilespmem:s17+$0xFFFFFFA0]  }
0x39: {  	v11 =	vld [tilespmem:s17+$0xFFFFCDB0];
	v0 =	vmul.bf16 v1, v0  }
0x3a: {  	v12 =	vld [tilespmem:s17+$0xFFFFFFC0];
	v1 =	vmul.bf16 v3, v2  }
0x3b: {  	v15 =	vld [tilespmem:s17+$0xFFFFCD90];
	v4 =	vmul.bf16 v5, v4;
	v5 =	vmul.bf16 v7, v6;
	v3 =	vunpack.i.u.bf16.f32 v0  }
0x3c: {  	v2 =	vld [tilespmem:s17+$0xFFFFFFB0];
	v0 =	vunpack.i.l.bf16.f32 v0;
	v7 =	vunpack.i.u.bf16.f32 v1;
	v1 =	vunpack.i.l.bf16.f32 v1  }
0x3d: {  	v6 =	vld [tilespmem:s17+$0xFFFFCDC0];
	v13 =	vunpack.i.u.bf16.f32 v4;
	v4 =	vunpack.i.l.bf16.f32 v4;
	v14 =	vunpack.i.u.bf16.f32 v5  }
0x3e: {  	s17 =	simm.s32 $0x11D50;
	v0 =	vadd.f32 v0, v3;
	v7 =	vadd.f32 v1, v7;
	v3 =	vunpack.i.l.bf16.f32 v5  }
0x3f: {  	v1 =	vld [tilespmem:s17+$0xFFFFCDD0];
	v5 =	vmul.bf16 v10, v9;
	v4 =	vadd.f32 v4, v13;
	v9 =	vadd.f32 v3, v14  }
0x40: {  	v8 =	vmul.bf16 v8, v15;
	v3 =	vld [tilespmem:s17+$0xFFFFFFD0]  }
0x41: {  	v10 =	vmul.bf16 v2, v11;
	v2 =	vld [tilespmem:s17+$0xFFFFCDE0];
	v0 =	vadd.f32 v7, v0;
	v7 =	vadd.f32 v9, v4  }
0x42: {  	v15 =	vunpack.i.l.bf16.f32 v8;
	v11 =	vunpack.i.u.bf16.f32 v5;
	v12 =	vmul.bf16 v12, v6;
	v6 =	vld [tilespmem:s17+$0xFFFFFFF0]  }
0x43: {  	v4 =	vld [tilespmem:s17+$0xFFFFFFE0];
	v9 =	vunpack.i.l.bf16.f32 v5;
	v13 =	vunpack.i.u.bf16.f32 v10;
	v0 =	vadd.f32 v7, v0  }
0x44: {  	v5 =	vld [tilespmem:s17+$0xFFFFCDF0];
	v10 =	vunpack.i.l.bf16.f32 v10;
	v9 =	vadd.f32 v9, v11;
	v14 =	vunpack.i.u.bf16.f32 v12  }
0x45: {  	v12 =	vunpack.i.l.bf16.f32 v12;
	v11 =	vunpack.i.u.bf16.f32 v8;
	v8 =	vld [tilespmem:s17+$0x0];
	v10 =	vadd.f32 v10, v13;
	(xrf2) =	vadd.scan.msk.f32 $0xffff, v0  }
0x46: {  	v7 =	vld [tilespmem:s17+$0xFFFFCE00];
	v11 =	vadd.f32 v15, v11;
	v12 =	vadd.f32 v12, v14  }
0x47: {  	s16 =	simm.s32 $0x0;
	s11 =	simm.s32 $0x4;
	s0 =	simm.s32 $0x2;
	v0 =	vld [tilespmem:s17+$0xFFFFFF90]  }
.LBB2_3:
0x48: {  	p0 =	slt.u32 s11, $0xC6;
	v13 =	vld [tilespmem:s17+$0xFFFFCDA0];
	v9 =	vadd.f32 v9, v11;
	v10 =	vadd.f32 v12, v10;
	v11 =	vmov s16  }
0x49: {  	v1 =	vmul.bf16 v3, v1;
	s6 =	sadd.s32 $0x1, s16;
	s16 =	smov.u32 s0;
	s0 =	smov.u32 s11;
	v12 =	vld [tilespmem:s17+$0xFFFFFFA0];
	v11 =	vand.u32 $0xFFFFFFFE, v11  }
0x4a: {  	v2 =	vmul.bf16 v4, v2;
	v4 =	vmov s6;
	v14 =	vld [tilespmem:s17+$0xFFFFCDB0];
	v3 =	vadd.f32 v10, v9  }
0x4b: {  	v5 =	vmul.bf16 v6, v5;
	v10 =	vunpack.i.u.bf16.f32 v1;
	v9 =	vld [tilespmem:s17+$0xFFFFFFB0];
	v6 =	vmul.bf16 v8, v7  }
0x4c: {  	v1 =	vunpack.i.l.bf16.f32 v1;
	v8 =	vunpack.i.u.bf16.f32 v2;
	v2 =	vunpack.i.l.bf16.f32 v2;
	v7 =	vld [tilespmem:s17+$0xFFFFCDC0];
	(xrf2) =	vadd.scan.msk.f32 $0xffff, v3  }
0x4d: {  	v3 =	vunpack.i.u.bf16.f32 v5;
	v5 =	vunpack.i.l.bf16.f32 v5;
	v15 =	vld [tilespmem:s17+$0xFFFFFFC0];
	v16 =	vunpack.i.u.bf16.f32 v6  }
0x4e: {  	v10 =	vadd.f32 v1, v10;
	v8 =	vadd.f32 v2, v8;
	v18 =	vunpack.i.l.bf16.f32 v6;
	v17 =	vld [tilespmem:s17+$0xFFFFCD90];
	s17 =	sadd.s32 $0x80, s17  }
0x4f: {  	v5 =	vadd.f32 v5, v3;
	v6 =	vmul.bf16 v12, v13;
	v12 =	vadd.f32 v18, v16;
	v1 =	vld [tilespmem:s17+$0xFFFFCDD0];
	v2, _, _ =	vpop (xrf2)  }
0x50: {  	v13 =	vbroadcast v11, $0x0;
	v3 =	vld [tilespmem:s17+$0xFFFFFFD0];
	v9 =	vmul.bf16 v9, v14;
	[tilespmem:v4+s22+$0x0] =	vst.idx.msk vm0, v2  }
0x51: {  	v8 =	vadd.f32 v8, v10;
	v11 =	vunpack.i.u.bf16.f32 v6;
	v10 =	vadd.f32 v12, v5;
	v2 =	vld [tilespmem:s17+$0xFFFFCDE0]  }
0x52: {  	v12 =	vunpack.i.l.bf16.f32 v6;
	v4 =	vld [tilespmem:s17+$0xFFFFFFE0];
	v14 =	vunpack.i.u.bf16.f32 v9;
	v7 =	vmul.bf16 v15, v7  }
.Ltmp0:
0x53: {  	v15 =	vunpack.i.l.bf16.f32 v9;
	v8 =	vadd.f32 v10, v8;
	v5 =	vld [tilespmem:s17+$0xFFFFCDF0];
	v0 =	vmul.bf16 v0, v17;
	(pc) =	sbr.rel @p0 .LBB2_3-.Ltmp0, $4  }
0x54: {  	v9 =	vadd.f32 v12, v11;
	v6 =	vld [tilespmem:s17+$0xFFFFFFF0];
	v12 =	vunpack.i.u.bf16.f32 v7;
	v16 =	vunpack.i.l.bf16.f32 v7  }
0x55: {  	v10 =	vadd.f32 v15, v14;
	v7 =	vld [tilespmem:s17+$0xFFFFCE00];
	v11 =	vunpack.i.u.bf16.f32 v0;
	v0 =	vunpack.i.l.bf16.f32 v0;
	(xrf2) =	vadd.scan.msk.f32 $0xffff, v8  }
0x56: {  	v12 =	vadd.f32 v16, v12;
	v8 =	vld [tilespmem:s17+$0x0];
	v11 =	vadd.f32 v0, v11;
	v14, _, _ =	vpop (xrf2)  }
0x57: {  	s11 =	sadd.s32 $0x2, s11;
	v0 =	vld [tilespmem:s17+$0xFFFFFF90];
	[tilespmem:v13+s22+$0x0] =	vst.idx.msk vm0, v14  }
0x58: {  	v13 =	vld [tilespmem:s17+$0xFFFFCDA0]  }
0x59: {  	v14 =	vld [tilespmem:s17+$0xFFFFFFA0]  }
0x5a: {  	v50 =	vld [tilespmem:s17+$0xFFFFCDB0]  }
0x5b: {  	v9 =	vadd.f32 v9, v11;
	v10 =	vadd.f32 v12, v10;
	v1 =	vmul.bf16 v3, v1;
	v3 =	vld [tilespmem:s17+$0xFFFFFFB0]  }
0x5c: {  	v2 =	vmul.bf16 v4, v2;
	v52 =	vld [tilespmem:s17+$0xFFFFCDC0]  }
0x5d: {  	v54 =	vld [tilespmem:s17+$0xFFFFFFC0];
	v5 =	vmul.bf16 v6, v5;
	v51 =	vadd.f32 v10, v9  }
0x5e: {  	v15 =	vld [tilespmem:s17+$0xFFFFCD90];
	v53 =	vunpack.i.u.bf16.f32 v1;
	v1 =	vunpack.i.l.bf16.f32 v1;
	v55 =	vunpack.i.u.bf16.f32 v2  }
0x5f: {  	v2 =	vunpack.i.l.bf16.f32 v2;
	v7 =	vmul.bf16 v8, v7;
	v56 =	vunpack.i.u.bf16.f32 v5  }
0x60: {  	v5 =	vunpack.i.l.bf16.f32 v5;
	v1 =	vadd.f32 v1, v53;
	v2 =	vadd.f32 v2, v55  }
0x61: {  	v5 =	vadd.f32 v5, v56;
	v16 =	vunpack.i.u.bf16.f32 v7;
	v57 =	vmul.bf16 v14, v13  }
0x62: {  	v7 =	vunpack.i.l.bf16.f32 v7;
	v3 =	vmul.bf16 v3, v50;
	v6 =	vmul.bf16 v54, v52  }
0x63: {  	v0 =	vmul.bf16 v0, v15;
	v7 =	vadd.f32 v7, v16;
	v58 =	vunpack.i.u.bf16.f32 v57  }
0x64: {  	v9 =	vunpack.i.l.bf16.f32 v57;
	v59 =	vunpack.i.u.bf16.f32 v3;
	v3 =	vunpack.i.l.bf16.f32 v3  }
0x65: {  	v60 =	vunpack.i.u.bf16.f32 v6;
	v6 =	vunpack.i.l.bf16.f32 v6;
	v61 =	vunpack.i.u.bf16.f32 v0  }
0x66: {  	v0 =	vunpack.i.l.bf16.f32 v0;
	v9 =	vadd.f32 v9, v58;
	v3 =	vadd.f32 v3, v59  }
0x67: {  	v0 =	vadd.f32 v0, v61;
	v6 =	vadd.f32 v6, v60  }
0x68: {  	v1 =	vadd.f32 v2, v1;
	v2 =	vadd.f32 v7, v5  }
0x69: {  	v0 =	vadd.f32 v9, v0;
	v3 =	vadd.f32 v6, v3  }
0x6a: {  	v1 =	vadd.f32 v2, v1  }
0x6b: {  	(xrf2) =	vadd.scan.msk.f32 $0xffff, v51;
	v0 =	vadd.f32 v3, v0  }
0x6c: {  	(xrf2) =	vadd.scan.msk.f32 $0xffff, v1  }
0x6d: {  	(xrf2) =	vadd.scan.msk.f32 $0xffff, v0  }
0x6e: {  	v0 =	vmov s16  }
0x6f: {  	s6 =	sadd.s32 $0x1, s16;
	v0 =	vand.u32 $0xFFFFFFFE, v0  }
0x70: {  	v2 =	vmov s0;
	v1 =	vmov s6;
	v0 =	vbroadcast v0, $0x0  }
0x71: {  	s17 =	sadd.s32 $0x1, s0;
	v2 =	vand.u32 $0xFFFFFFFE, v2  }
0x72: {  	v3 =	vmov s17;
	v2 =	vbroadcast v2, $0x0;
	_ =	sdelay $0x1  }
0x73: {  	v62, _, _ =	vpop (xrf2)  }
0x74: {  	v63, _, _ =	vpop (xrf2);
	[tilespmem:v1+s22+$0x0] =	vst.idx.msk vm0, v62  }
0x75: {  	[tilespmem:v0+s22+$0x0] =	vst.idx.msk vm0, v63;
	v0, _, _ =	vpop (xrf2)  }
0x76: {  	[tilespmem:v3+s22+$0x0] =	vst.idx.msk vm0, v0;
	v0, _, _ =	vpop (xrf2)  }
0x77: {  	s0 =	simm.s32 $0x0;
	[tilespmem:v2+s22+$0x0] =	vst.idx.msk vm0, v0  }
0x78: {  	v0 =	vld [tilespmem:s0+$0x1B260];
	_ =	sdelay $0x1  }
0x79: {  	s11 =	simm.s32 $0x10  }
0x7a: {  	v1 =	vld [tilespmem:s11+$0x1B260];
	_ =	sdelay $0x1  }
0x7b: {  	v0 =	vsub.f32 $0.0e+00, v0;
	_ =	sdelay $0x1  }
0x7c: {  	v0 =	vmul.f32 $1.442695020e+00, v0  }
0x7d: {  	v1 =	vsub.f32 $0.0e+00, v1  }
0x7e: {  	s16 =	simm.s32 $0x20;
	(erf) = vpow2.f32 v0  }
0x7f: {  	v0 =	vmul.f32 $1.442695020e+00, v1;
	v1 =	vld [tilespmem:s16+$0x1B260];
	_ =	sdelay $0x1  }
0x80: {  	(erf) = vpow2.f32 v0  }
0x81: {  	s17 =	simm.s32 $0x30  }
0x82: {  	v0 =	vld [tilespmem:s17+$0x1B260]  }
0x83: {  	v1 =	vsub.f32 $0.0e+00, v1;
	_ =	sdelay $0x1  }
0x84: {  	v1 =	vmul.f32 $1.442695020e+00, v1  }
0x85: {  	v2 =	vpop (erf)  }
0x86: {  	v0 =	vsub.f32 $0.0e+00, v0;
	v2 =	vadd.f32 $1.000000000e+00, v2  }
0x87: {  	(erf) = vpow2.f32 v1  }
0x88: {  	v0 =	vmul.f32 $1.442695020e+00, v0;
	v1 =	vpop (erf);
	(erf) = vrcp.f32 v2  }
0x89: {  	s6 =	simm.s32 $0x40;
	v1 =	vadd.f32 $1.000000000e+00, v1  }
0x8a: {  	(erf) = vpow2.f32 v0;
	v0 =	vld [tilespmem:s6+$0x1B260]  }
0x8b: {  	(erf) = vrcp.f32 v1;
	_ =	sdelay $0x2  }
0x8c: {  	s7 =	simm.s32 $0x140  }
.LBB2_5:
0x8d: {  	s8 =	sshra.s32 s7, $0x2;
	v1 =	vsub.f32 $0.0e+00, v0;
	p0 =	sne.s32 s7, $0x300  }
.Ltmp1:
0x8e: {  	s7 =	sadd.s32 $0x40, s7;
	v0 =	vld [tilespmem:s8+$0x1B260];
	v2 =	vpop (erf);
	(pc) =	sbr.rel @p0 .LBB2_5-.Ltmp1, $4  }
0x8f: {  	v1 =	vmul.f32 $1.442695020e+00, v1;
	v3 =	vpop (erf)  }
0x90: {  	v2 =	vadd.f32 $1.000000000e+00, v2;
	[tilespmem:s0+$0x1B260] =	vst v3;
	s0 =	smov.u32 s11;
	s11 =	smov.u32 s16;
	s16 =	smov.u32 s17  }
0x91: {  	s17 =	smov.u32 s6;
	s6 =	smov.u32 s8;
	(erf) = vpow2.f32 v1  }
0x92: {  	(erf) = vrcp.f32 v2  }
0x93: {  	v0 =	vsub.f32 $0.0e+00, v0;
	_ =	sdelay $0x1  }
0x94: {  	v0 =	vmul.f32 $1.442695020e+00, v0;
	_ =	sdelay $0x1  }
0x95: {  	(erf) = vpow2.f32 v0;
	_ =	sdelay $0x4  }
0x96: {  	v0 =	vpop (erf)  }
0x97: {  	v1 =	vpop (erf)  }
0x98: {  	v2 =	vpop (erf)  }
0x99: {  	v0 =	vadd.f32 $1.000000000e+00, v0;
	v3 =	vpop (erf)  }
0x9a: {  	v2 =	vadd.f32 $1.000000000e+00, v2;
	v4 =	vpop (erf)  }
0x9b: {  	(erf) = vrcp.f32 v0;
	v0 =	vadd.f32 $1.000000000e+00, v4  }
0x9c: {  	(erf) = vrcp.f32 v2  }
0x9d: {  	(erf) = vrcp.f32 v0;
	_ =	sdelay $0x5  }
0x9e: {  	[tilespmem:s0+$0x1B260] =	vst v1  }
0x9f: {  	[tilespmem:s11+$0x1B260] =	vst v3;
	v0 =	vpop (erf)  }
0xa0: {  	[tilespmem:s16+$0x1B260] =	vst v0;
	s16 =	sadd.s32 s5, s1;
	v0 =	vpop (erf)  }
0xa1: {  	s0 =	sshrl.u32 s16, $0x3;
	[tilespmem:s17+$0x1B260] =	vst v0;
	v0 =	vpop (erf)  }
0xa2: {  	s0 =	sadd.s32 s2, s0;
	[tilespmem:s6+$0x1B260] =	vst v0  }
0xa3: {  	[hbm4b:s0+s4] =	stream.linear.scatter [tilespmem:s22], [sflag:$0x6], $0xC8, $0x38;
	[tilespmem:$0x1B400] =	vst v63  }
0xa4: {  	_ =	swait.ge [sflag:s23], $0x3200  }
0xa5: {  	[sflag:s23] =	ssyncset.done $0x0  }
0xa6: {  	[sflag:s23] =	ssyncadd.s32 $0xFFFFCE00  }
0xa7: {  	p0 =	seq.s32 s30, $0x18;
	_ =	swait.ge [sflag:s24], $0x3200  }
0xa8: {  	s7 =	simm.s32 @!p0 $0xEA60;
	[sflag:s24] =	ssyncset.done $0x0  }
0xa9: {  	s6 =	simm.s32 @!p0 $0xC8;
	s0 =	sadd.s32 @!p0 $0x190, s1;
	[sflag:s24] =	ssyncadd.s32 $0xFFFFCE00  }
0xaa: {  	[tilespmem:s7], [sflag:$0x4] =	stream.indirect.gather @!p0 [spmem:s3], $0x40, s0, s6, $0xb8;
	[tilespmem:$0x1B400] =	vst v63  }
0xab: {  	p1 =	seq.s32 @!p0 s30, $0x0;
	s0 =	sadd.s32 @!p0 $0x28A0, s1;
	s1 =	simm.s32 @!p0 $0x11C60  }
0xac: {  	[tilespmem:s1], [sflag:$0x2] =	stream.indirect.gather @!p0 [spmem:s3], $0x40, s0, s6, $0xb8;
	[tilespmem:$0x1B400] =	vst v63  }
0xad: {  	p0 =	por p0, !p1  }
0xae: {  	_ =	swait.ge @p0 [sflag:s28], $0xC8  }
0xaf: {  	[sflag:s28] =	ssyncset.done @p0 $0x0  }
0xb0: {  	s17 =	simm.s32 $0x180D0;
	[sflag:s28] =	ssyncadd.s32 @p0 $0xFFFFFF38  }
0xb1: {  	v0 =	vld [tilespmem:s17+$0xFFFFCDD0]  }
0xb2: {  	v1 =	vld [tilespmem:s17+$0xFFFFFFD0]  }
0xb3: {  	v2 =	vld [tilespmem:s17+$0xFFFFCDE0]  }
0xb4: {  	v3 =	vld [tilespmem:s17+$0xFFFFFFE0]  }
0xb5: {  	v4 =	vld [tilespmem:s17+$0xFFFFCDF0]  }
0xb6: {  	v5 =	vld [tilespmem:s17+$0xFFFFFFF0]  }
0xb7: {  	v6 =	vld [tilespmem:s17+$0xFFFFCE00]  }
0xb8: {  	v7 =	vld [tilespmem:s17+$0x0]  }
0xb9: {  	v8 =	vld [tilespmem:s17+$0xFFFFFF90]  }
0xba: {  	v9 =	vld [tilespmem:s17+$0xFFFFCDA0]  }
0xbb: {  	v10 =	vld [tilespmem:s17+$0xFFFFFFA0]  }
0xbc: {  	v11 =	vld [tilespmem:s17+$0xFFFFCDB0];
	v0 =	vmul.bf16 v1, v0  }
0xbd: {  	v12 =	vld [tilespmem:s17+$0xFFFFFFC0];
	v1 =	vmul.bf16 v3, v2  }
0xbe: {  	v15 =	vld [tilespmem:s17+$0xFFFFCD90];
	v4 =	vmul.bf16 v5, v4;
	v5 =	vmul.bf16 v7, v6;
	v3 =	vunpack.i.u.bf16.f32 v0  }
0xbf: {  	v2 =	vld [tilespmem:s17+$0xFFFFFFB0];
	v0 =	vunpack.i.l.bf16.f32 v0;
	v7 =	vunpack.i.u.bf16.f32 v1;
	v1 =	vunpack.i.l.bf16.f32 v1  }
0xc0: {  	v6 =	vld [tilespmem:s17+$0xFFFFCDC0];
	v13 =	vunpack.i.u.bf16.f32 v4;
	v4 =	vunpack.i.l.bf16.f32 v4;
	v14 =	vunpack.i.u.bf16.f32 v5  }
0xc1: {  	s16 =	simm.s32 $0x18150;
	v0 =	vadd.f32 v0, v3;
	v7 =	vadd.f32 v1, v7;
	v3 =	vunpack.i.l.bf16.f32 v5  }
0xc2: {  	v1 =	vld [tilespmem:s16+$0xFFFFCDD0];
	v5 =	vmul.bf16 v10, v9;
	v4 =	vadd.f32 v4, v13;
	v9 =	vadd.f32 v3, v14  }
0xc3: {  	v8 =	vmul.bf16 v8, v15;
	v3 =	vld [tilespmem:s16+$0xFFFFFFD0]  }
0xc4: {  	v10 =	vmul.bf16 v2, v11;
	v2 =	vld [tilespmem:s16+$0xFFFFCDE0];
	v0 =	vadd.f32 v7, v0;
	v7 =	vadd.f32 v9, v4  }
0xc5: {  	v15 =	vunpack.i.l.bf16.f32 v8;
	v11 =	vunpack.i.u.bf16.f32 v5;
	v12 =	vmul.bf16 v12, v6;
	v6 =	vld [tilespmem:s16+$0xFFFFFFF0]  }
0xc6: {  	v4 =	vld [tilespmem:s16+$0xFFFFFFE0];
	v9 =	vunpack.i.l.bf16.f32 v5;
	v13 =	vunpack.i.u.bf16.f32 v10;
	v0 =	vadd.f32 v7, v0  }
0xc7: {  	v5 =	vld [tilespmem:s16+$0xFFFFCDF0];
	v10 =	vunpack.i.l.bf16.f32 v10;
	v9 =	vadd.f32 v9, v11;
	v14 =	vunpack.i.u.bf16.f32 v12  }
0xc8: {  	v12 =	vunpack.i.l.bf16.f32 v12;
	v11 =	vunpack.i.u.bf16.f32 v8;
	v8 =	vld [tilespmem:s16+$0x0];
	v10 =	vadd.f32 v10, v13;
	(xrf2) =	vadd.scan.msk.f32 $0xffff, v0  }
0xc9: {  	v7 =	vld [tilespmem:s16+$0xFFFFCE00];
	v11 =	vadd.f32 v15, v11;
	v12 =	vadd.f32 v12, v14  }
0xca: {  	s11 =	simm.s32 $0x4;
	s1 =	simm.s32 $0x0;
	s0 =	simm.s32 $0x2;
	v0 =	vld [tilespmem:s16+$0xFFFFFF90]  }
.LBB2_7:
0xcb: {  	p0 =	slt.u32 s11, $0xC6;
	v13 =	vld [tilespmem:s16+$0xFFFFCDA0];
	v9 =	vadd.f32 v9, v11;
	v10 =	vadd.f32 v12, v10;
	v11 =	vmov s1  }
0xcc: {  	v1 =	vmul.bf16 v3, v1;
	s6 =	sadd.s32 $0x1, s1;
	s1 =	smov.u32 s0;
	s0 =	smov.u32 s11;
	v12 =	vld [tilespmem:s16+$0xFFFFFFA0];
	v11 =	vand.u32 $0xFFFFFFFE, v11  }
0xcd: {  	v2 =	vmul.bf16 v4, v2;
	v4 =	vmov s6;
	v14 =	vld [tilespmem:s16+$0xFFFFCDB0];
	v3 =	vadd.f32 v10, v9  }
0xce: {  	v5 =	vmul.bf16 v6, v5;
	v10 =	vunpack.i.u.bf16.f32 v1;
	v9 =	vld [tilespmem:s16+$0xFFFFFFB0];
	v6 =	vmul.bf16 v8, v7  }
0xcf: {  	v1 =	vunpack.i.l.bf16.f32 v1;
	v8 =	vunpack.i.u.bf16.f32 v2;
	v2 =	vunpack.i.l.bf16.f32 v2;
	v7 =	vld [tilespmem:s16+$0xFFFFCDC0];
	(xrf2) =	vadd.scan.msk.f32 $0xffff, v3  }
0xd0: {  	v3 =	vunpack.i.u.bf16.f32 v5;
	v5 =	vunpack.i.l.bf16.f32 v5;
	v15 =	vld [tilespmem:s16+$0xFFFFFFC0];
	v16 =	vunpack.i.u.bf16.f32 v6  }
0xd1: {  	v10 =	vadd.f32 v1, v10;
	v8 =	vadd.f32 v2, v8;
	v18 =	vunpack.i.l.bf16.f32 v6;
	v17 =	vld [tilespmem:s16+$0xFFFFCD90];
	s16 =	sadd.s32 $0x80, s16  }
0xd2: {  	v5 =	vadd.f32 v5, v3;
	v6 =	vmul.bf16 v12, v13;
	v12 =	vadd.f32 v18, v16;
	v1 =	vld [tilespmem:s16+$0xFFFFCDD0];
	v2, _, _ =	vpop (xrf2)  }
0xd3: {  	v13 =	vbroadcast v11, $0x0;
	v3 =	vld [tilespmem:s16+$0xFFFFFFD0];
	v9 =	vmul.bf16 v9, v14;
	[tilespmem:v4+s25+$0x0] =	vst.idx.msk vm0, v2  }
0xd4: {  	v8 =	vadd.f32 v8, v10;
	v11 =	vunpack.i.u.bf16.f32 v6;
	v10 =	vadd.f32 v12, v5;
	v2 =	vld [tilespmem:s16+$0xFFFFCDE0]  }
0xd5: {  	v12 =	vunpack.i.l.bf16.f32 v6;
	v4 =	vld [tilespmem:s16+$0xFFFFFFE0];
	v14 =	vunpack.i.u.bf16.f32 v9;
	v7 =	vmul.bf16 v15, v7  }
.Ltmp2:
0xd6: {  	v15 =	vunpack.i.l.bf16.f32 v9;
	v8 =	vadd.f32 v10, v8;
	v5 =	vld [tilespmem:s16+$0xFFFFCDF0];
	v0 =	vmul.bf16 v0, v17;
	(pc) =	sbr.rel @p0 .LBB2_7-.Ltmp2, $4  }
0xd7: {  	v9 =	vadd.f32 v12, v11;
	v6 =	vld [tilespmem:s16+$0xFFFFFFF0];
	v12 =	vunpack.i.u.bf16.f32 v7;
	v16 =	vunpack.i.l.bf16.f32 v7  }
0xd8: {  	v10 =	vadd.f32 v15, v14;
	v7 =	vld [tilespmem:s16+$0xFFFFCE00];
	v11 =	vunpack.i.u.bf16.f32 v0;
	v0 =	vunpack.i.l.bf16.f32 v0;
	(xrf2) =	vadd.scan.msk.f32 $0xffff, v8  }
0xd9: {  	v12 =	vadd.f32 v16, v12;
	v8 =	vld [tilespmem:s16+$0x0];
	v11 =	vadd.f32 v0, v11;
	v14, _, _ =	vpop (xrf2)  }
0xda: {  	s11 =	sadd.s32 $0x2, s11;
	v0 =	vld [tilespmem:s16+$0xFFFFFF90];
	[tilespmem:v13+s25+$0x0] =	vst.idx.msk vm0, v14  }
0xdb: {  	v13 =	vld [tilespmem:s16+$0xFFFFCDA0]  }
0xdc: {  	v14 =	vld [tilespmem:s16+$0xFFFFFFA0]  }
0xdd: {  	v50 =	vld [tilespmem:s16+$0xFFFFCDB0]  }
0xde: {  	v9 =	vadd.f32 v9, v11;
	v10 =	vadd.f32 v12, v10;
	v1 =	vmul.bf16 v3, v1;
	v3 =	vld [tilespmem:s16+$0xFFFFFFB0]  }
0xdf: {  	v2 =	vmul.bf16 v4, v2;
	v52 =	vld [tilespmem:s16+$0xFFFFCDC0]  }
0xe0: {  	v54 =	vld [tilespmem:s16+$0xFFFFFFC0];
	v5 =	vmul.bf16 v6, v5;
	v51 =	vadd.f32 v10, v9  }
0xe1: {  	v15 =	vld [tilespmem:s16+$0xFFFFCD90];
	v53 =	vunpack.i.u.bf16.f32 v1;
	v1 =	vunpack.i.l.bf16.f32 v1;
	v55 =	vunpack.i.u.bf16.f32 v2  }
0xe2: {  	v2 =	vunpack.i.l.bf16.f32 v2;
	v7 =	vmul.bf16 v8, v7;
	v56 =	vunpack.i.u.bf16.f32 v5  }
0xe3: {  	v5 =	vunpack.i.l.bf16.f32 v5;
	v1 =	vadd.f32 v1, v53;
	v2 =	vadd.f32 v2, v55  }
0xe4: {  	v5 =	vadd.f32 v5, v56;
	v16 =	vunpack.i.u.bf16.f32 v7;
	v57 =	vmul.bf16 v14, v13  }
0xe5: {  	v7 =	vunpack.i.l.bf16.f32 v7;
	v3 =	vmul.bf16 v3, v50;
	v6 =	vmul.bf16 v54, v52  }
0xe6: {  	v0 =	vmul.bf16 v0, v15;
	v7 =	vadd.f32 v7, v16;
	v58 =	vunpack.i.u.bf16.f32 v57  }
0xe7: {  	v9 =	vunpack.i.l.bf16.f32 v57;
	v59 =	vunpack.i.u.bf16.f32 v3;
	v3 =	vunpack.i.l.bf16.f32 v3  }
0xe8: {  	v60 =	vunpack.i.u.bf16.f32 v6;
	v6 =	vunpack.i.l.bf16.f32 v6;
	v61 =	vunpack.i.u.bf16.f32 v0  }
0xe9: {  	v0 =	vunpack.i.l.bf16.f32 v0;
	v9 =	vadd.f32 v9, v58;
	v3 =	vadd.f32 v3, v59  }
0xea: {  	v0 =	vadd.f32 v0, v61;
	v6 =	vadd.f32 v6, v60  }
0xeb: {  	v1 =	vadd.f32 v2, v1;
	v2 =	vadd.f32 v7, v5  }
0xec: {  	v0 =	vadd.f32 v9, v0;
	v3 =	vadd.f32 v6, v3  }
0xed: {  	v1 =	vadd.f32 v2, v1  }
0xee: {  	(xrf2) =	vadd.scan.msk.f32 $0xffff, v51;
	v0 =	vadd.f32 v3, v0  }
0xef: {  	(xrf2) =	vadd.scan.msk.f32 $0xffff, v1  }
0xf0: {  	(xrf2) =	vadd.scan.msk.f32 $0xffff, v0  }
0xf1: {  	v0 =	vmov s1  }
0xf2: {  	s16 =	sadd.s32 $0x1, s1;
	v0 =	vand.u32 $0xFFFFFFFE, v0  }
0xf3: {  	v2 =	vmov s0;
	v1 =	vmov s16;
	v0 =	vbroadcast v0, $0x0  }
0xf4: {  	s17 =	sadd.s32 $0x1, s0;
	v2 =	vand.u32 $0xFFFFFFFE, v2  }
0xf5: {  	v3 =	vmov s17;
	v2 =	vbroadcast v2, $0x0;
	_ =	sdelay $0x1  }
0xf6: {  	v62, _, _ =	vpop (xrf2)  }
0xf7: {  	v63, _, _ =	vpop (xrf2);
	[tilespmem:v1+s25+$0x0] =	vst.idx.msk vm0, v62  }
0xf8: {  	[tilespmem:v0+s25+$0x0] =	vst.idx.msk vm0, v63;
	v0, _, _ =	vpop (xrf2)  }
0xf9: {  	[tilespmem:v3+s25+$0x0] =	vst.idx.msk vm0, v0;
	v0, _, _ =	vpop (xrf2)  }
0xfa: {  	s0 =	simm.s32 $0x0;
	[tilespmem:v2+s25+$0x0] =	vst.idx.msk vm0, v0  }
0xfb: {  	v0 =	vld [tilespmem:s0+$0x1B330];
	_ =	sdelay $0x1  }
0xfc: {  	s1 =	simm.s32 $0x10  }
0xfd: {  	v1 =	vld [tilespmem:s1+$0x1B330];
	_ =	sdelay $0x1  }
0xfe: {  	v0 =	vsub.f32 $0.0e+00, v0;
	_ =	sdelay $0x1  }
0xff: {  	v0 =	vmul.f32 $1.442695020e+00, v0  }
0x100: {  	v1 =	vsub.f32 $0.0e+00, v1  }
0x101: {  	s11 =	simm.s32 $0x20;
	(erf) = vpow2.f32 v0  }
0x102: {  	v0 =	vmul.f32 $1.442695020e+00, v1;
	v1 =	vld [tilespmem:s11+$0x1B330];
	_ =	sdelay $0x1  }
0x103: {  	(erf) = vpow2.f32 v0  }
0x104: {  	s16 =	simm.s32 $0x30  }
0x105: {  	v0 =	vld [tilespmem:s16+$0x1B330]  }
0x106: {  	v1 =	vsub.f32 $0.0e+00, v1;
	_ =	sdelay $0x1  }
0x107: {  	v1 =	vmul.f32 $1.442695020e+00, v1  }
0x108: {  	v2 =	vpop (erf)  }
0x109: {  	v0 =	vsub.f32 $0.0e+00, v0;
	v2 =	vadd.f32 $1.000000000e+00, v2  }
0x10a: {  	(erf) = vpow2.f32 v1  }
0x10b: {  	v0 =	vmul.f32 $1.442695020e+00, v0;
	v1 =	vpop (erf);
	(erf) = vrcp.f32 v2  }
0x10c: {  	s6 =	simm.s32 $0x40;
	v1 =	vadd.f32 $1.000000000e+00, v1  }
0x10d: {  	(erf) = vpow2.f32 v0;
	v0 =	vld [tilespmem:s6+$0x1B330]  }
0x10e: {  	(erf) = vrcp.f32 v1;
	_ =	sdelay $0x2  }
0x10f: {  	s7 =	simm.s32 $0x140  }
.LBB2_9:
0x110: {  	s8 =	sshra.s32 s7, $0x2;
	v1 =	vsub.f32 $0.0e+00, v0;
	p0 =	sne.s32 s7, $0x300  }
.Ltmp3:
0x111: {  	s7 =	sadd.s32 $0x40, s7;
	v0 =	vld [tilespmem:s8+$0x1B330];
	v2 =	vpop (erf);
	(pc) =	sbr.rel @p0 .LBB2_9-.Ltmp3, $4  }
0x112: {  	v1 =	vmul.f32 $1.442695020e+00, v1;
	v3 =	vpop (erf)  }
0x113: {  	v2 =	vadd.f32 $1.000000000e+00, v2;
	[tilespmem:s0+$0x1B330] =	vst v3;
	s0 =	smov.u32 s1;
	s1 =	smov.u32 s11;
	s11 =	smov.u32 s16  }
0x114: {  	s16 =	smov.u32 s6;
	s6 =	smov.u32 s8;
	(erf) = vpow2.f32 v1  }
0x115: {  	(erf) = vrcp.f32 v2  }
0x116: {  	v0 =	vsub.f32 $0.0e+00, v0;
	_ =	sdelay $0x1  }
0x117: {  	v0 =	vmul.f32 $1.442695020e+00, v0;
	_ =	sdelay $0x1  }
0x118: {  	(erf) = vpow2.f32 v0;
	_ =	sdelay $0x4  }
0x119: {  	v59 =	vpop (erf)  }
0x11a: {  	v1 =	vpop (erf)  }
0x11b: {  	v2 =	vpop (erf)  }
0x11c: {  	v0 =	vadd.f32 $1.000000000e+00, v59;
	v3 =	vpop (erf)  }
0x11d: {  	v2 =	vadd.f32 $1.000000000e+00, v2;
	v4 =	vpop (erf)  }
0x11e: {  	(erf) = vrcp.f32 v0;
	v60 =	vadd.f32 $1.000000000e+00, v4  }
0x11f: {  	(erf) = vrcp.f32 v2  }
0x120: {  	(erf) = vrcp.f32 v60;
	_ =	sdelay $0x4  }
0x121: {  	s30 =	sadd.s32 $0x1, s30  }
0x122: {  	p0 =	sne.s32 s30, $0x19;
	[tilespmem:s0+$0x1B330] =	vst v1  }
.Ltmp4:
0x123: {  	[tilespmem:s1+$0x1B330] =	vst v3;
	v61 =	vpop (erf);
	(pc) =	sbr.rel @p0 .LBB2_2-.Ltmp4, $4  }
0x124: {  	s31 =	sadd.s32 s5, s31;
	[tilespmem:s11+$0x1B330] =	vst v61;
	v62 =	vpop (erf)  }
0x125: {  	s0 =	sshrl.u32 s31, $0x3;
	[tilespmem:s16+$0x1B330] =	vst v62;
	v63 =	vpop (erf)  }
0x126: {  	s0 =	sadd.s32 s2, s0;
	[tilespmem:s6+$0x1B330] =	vst v63  }
0x127: {  	[hbm4b:s0+s4] =	stream.linear.scatter [tilespmem:s25], [sflag:$0x7], $0xC8, $0x38;
	[tilespmem:$0x1B400] =	vst v63  }
0x128: {  	s29 =	sadd.s32 $0x1, s29  }
0x129: {  	_ =	swait.ge [sflag:s26], $0xC8;
	p0 =	sne.s32 s29, s10  }
.Ltmp5:
0x12a: {  	[sflag:s26] =	ssyncset.done $0x0;
	(pc) =	sbr.rel @p0 .LBB2_1-.Ltmp5, $4  }
0x12b: {  	[sflag:s26] =	ssyncadd.s32 $0xFFFFFF38  }
0x12c: {  	_ =	swait.ge [sflag:s28], $0xC8  }
0x12d: {  	[sflag:s28] =	ssyncset.done $0x0  }
0x12e: {  	[sflag:s28] =	ssyncadd.s32 $0xFFFFFF38  }
0x12f: {  	_ =	sfence.sel $0x180000  }
0x130: {  	[bflag:$0x0] =	sbarrier.arrive $0xFFFF  }
0x131: {  	_ =	strace $0x90000047  }
0x132: {  	s0 =	stileid.u32;
	[bflag:$0x2] =	sbarrier.arrive $0xFFFF  }
0x133: {  	p0 =	sne.s32 s0, $0x0;
	s0 =	rddreg [dreg:$0x3]  }
0x134: {  	s0 =	sadd.s32 @!p0 $0x100000, s0  }
0x135: {  	[sflag:s0] =	ssyncadd.tile.s32 @!p0 $0x1;
	_ =	shalt  }
.Lfunc_end2:
_tile_overlayer_lowered:
.L_overlay_start_2:
0x136: {  	(tag) =	ssettag $0x2  }
0x137: {  	s0 =	rddreg [dreg:$0x0];
	s2 =	stileid.u32  }
0x138: {  	s1 =	rddreg [dreg:$0x1];
	p0 =	sne.s32 s2, $0x0  }
0x139: {  	s3 =	rddreg [dreg:$0x2];
	[bflag:$0x3] =	sbarrier.arrive $0xFFFF;
	s2 =	simm.s32 @!p0 $0x1C08  }
0x13a: {  	[timem:s3], [sflag:s2] =	dma.local @!p0 [hbm:s0], s1  }
0x13b: {  	s0 =	simm.s32 @!p0 $0x8  }
0x13c: {  	_ =	swait.ge @!p0 [sflag:s0], s1  }
0x13d: {  	s1 =	ssub.s32 @!p0 $0x0, s1;
	[sflag:s0] =	ssyncset.done @!p0 $0x0  }
0x13e: {  	[sflag:s0] =	ssyncadd.s32 @!p0 s1  }
0x13f: {  	[bflag:$0x3] =	sbarrier.arrive $0xFFFF  }
0x140: {  	_ =	shalt  }

</sc_bundles>
